<compile_context>
chip_gen: v7x
topology: tpu7x:2x2x1
jax: 0.10.2.dev20260603
libtpu: 0.0.44.dev20260713+nightly
codegen_flags: <defaults>
</compile_context>

<pallas_src>
import functools
import jax
import jax.numpy as jnp
from jax import lax
from jax.experimental import pallas as pl
from jax.experimental.pallas import tpu as pltpu, tpu_sc as plsc

_N = 10000
_E = 160000
_EMB = 128
_ATTN = 32
_NUM_RELS = 8
_NUM_LAYERS = 3

_ROWS_BLK = 1000
_NB = _N // _ROWS_BLK

_NC = 2
_NS = 16
_NW = _NC * _NS
_CH = 32
_NCH = 158
_EPT = _CH * _NCH
_E_PAD = _EPT * _NW
_RPS = 624
_N_TAIL = _N - _RPS * _NS


def _mm_kernel(h_ref, w_ref, o_ref):
    o_ref[0] = jnp.dot(h_ref[...], w_ref[0], preferred_element_type=jnp.float32)


def _stacked_matmul(h, w_all):
    c = w_all.shape[0]
    return pl.pallas_call(
        _mm_kernel,
        grid=(c, _NB),
        in_specs=[
            pl.BlockSpec((_ROWS_BLK, _EMB), lambda i, j: (j, 0)),
            pl.BlockSpec((1, _EMB, _EMB), lambda i, j: (i, 0, 0)),
        ],
        out_specs=pl.BlockSpec((1, _ROWS_BLK, _EMB), lambda i, j: (i, j, 0)),
        out_shape=jax.ShapeDtypeStruct((c, _N, _EMB), jnp.float32),
    )(h, w_all)


def _comb_kernel(a1_ref, relb_ref, o_ref):
    o_ref[0] = a1_ref[...] + relb_ref[0, 0]


def _build_comb(hA1, relb):
    return pl.pallas_call(
        _comb_kernel,
        grid=(_NUM_RELS, _NB),
        in_specs=[
            pl.BlockSpec((_ROWS_BLK, _EMB), lambda i, j: (j, 0)),
            pl.BlockSpec((1, 1, _EMB), lambda i, j: (i, 0, 0)),
        ],
        out_specs=pl.BlockSpec((1, _ROWS_BLK, _EMB), lambda i, j: (i, j, 0)),
        out_shape=jax.ShapeDtypeStruct((_NUM_RELS, _N, _EMB), jnp.float32),
    )(hA1, relb[:, None, :])


def _post_kernel(hs_ref, agg_ref, bias_ref, o_ref):
    o_ref[...] = jnp.maximum(
        hs_ref[...] + agg_ref[0, 0] + agg_ref[0, 1] + bias_ref[...], 0.0)


def _post_layer(hs, agg2, bias_l):
    return pl.pallas_call(
        _post_kernel,
        grid=(_NB,),
        in_specs=[
            pl.BlockSpec((_ROWS_BLK, _EMB), lambda j: (j, 0)),
            pl.BlockSpec((1, 2, _ROWS_BLK, _EMB), lambda j: (0, 0, j, 0)),
            pl.BlockSpec((1, _EMB), lambda j: (0, 0)),
        ],
        out_specs=pl.BlockSpec((_ROWS_BLK, _EMB), lambda j: (j, 0)),
        out_shape=jax.ShapeDtypeStruct((_N, _EMB), jnp.float32),
    )(hs, agg2[None], bias_l[None])


def _stats_kernel(h_ref, o_ref):
    @pl.when(pl.program_id(0) == 0)
    def _():
        o_ref[...] = jnp.zeros_like(o_ref)
    blk = h_ref[...]
    o_ref[0, 0] += jnp.sum(blk, axis=0)
    o_ref[0, 1] += jnp.sum(blk * blk, axis=0)


def _bn_stats(h):
    return pl.pallas_call(
        _stats_kernel,
        grid=(_NB,),
        in_specs=[pl.BlockSpec((_ROWS_BLK, _EMB), lambda j: (j, 0))],
        out_specs=pl.BlockSpec((1, 2, _EMB), lambda j: (0, 0, 0)),
        out_shape=jax.ShapeDtypeStruct((1, 2, _EMB), jnp.float32),
    )(h)


def _bn_apply_kernel(h_ref, hin_ref, scale_ref, shift_ref, o_ref):
    o_ref[...] = hin_ref[...] + h_ref[...] * scale_ref[0] + shift_ref[0]


def _bn_apply(h, h_in, scale, shift):
    return pl.pallas_call(
        _bn_apply_kernel,
        grid=(_NB,),
        in_specs=[
            pl.BlockSpec((_ROWS_BLK, _EMB), lambda j: (j, 0)),
            pl.BlockSpec((_ROWS_BLK, _EMB), lambda j: (j, 0)),
            pl.BlockSpec((1, _EMB), lambda j: (0, 0)),
            pl.BlockSpec((1, _EMB), lambda j: (0, 0)),
        ],
        out_specs=pl.BlockSpec((_ROWS_BLK, _EMB), lambda j: (j, 0)),
        out_shape=jax.ShapeDtypeStruct((_N, _EMB), jnp.float32),
    )(h, h_in, scale[None], shift[None])


_G16 = _EMB // 16


def _edge_sc_kernel(hW_hbm, comb_hbm, hA2_hbm, gidx_hbm, dst_hbm,
                    norm_hbm, bw_hbm, bb_hbm, out_hbm,
                    gidx_v, dst_v, norm_v,
                    msg0, msg1, a10, a11, a20, a21, dstc, tbuf, vbuf,
                    bw_v, bb_v, zbuf, agg_sh,
                    s0a, s0b, s0c, s1a, s1b, s1c):
    cid = lax.axis_index("c")
    sid = lax.axis_index("s")
    wid = sid * _NC + cid
    ebase = wid * _EPT

    pltpu.sync_copy(gidx_hbm.at[pl.ds(ebase, _EPT)], gidx_v)
    pltpu.sync_copy(dst_hbm.at[pl.ds(ebase, _EPT)], dst_v)
    pltpu.sync_copy(norm_hbm.at[pl.ds(ebase, _EPT)], norm_v)
    pltpu.sync_copy(bw_hbm, bw_v)
    pltpu.sync_copy(bb_hbm, bb_v)

    def _zb_body(k, _):
        for j in range(_G16):
            zbuf[k, pl.ds(j * 16, 16)] = jnp.zeros((16,), jnp.float32)
        return 0
    lax.fori_loop(0, 16, _zb_body, 0)

    def _zc_body(k, _):
        pltpu.sync_copy(zbuf, agg_sh.at[pl.ds(sid * _RPS + k * 16, 16)])
        return 0
    lax.fori_loop(0, _RPS // 16, _zc_body, 0)

    @pl.when(sid == _NS - 1)
    def _zero_tail():
        pltpu.sync_copy(zbuf, agg_sh.at[pl.ds(_RPS * _NS, _N_TAIL)])
    plsc.subcore_barrier()

    bwv = [bw_v[pl.ds(j * 16, 16)] for j in range(_G16)]
    bbv = bb_v[...]
    eidx = lax.iota(jnp.int32, 16)
    msgb = (msg0, msg1)
    a1b = (a10, a11)
    a2b = (a20, a21)
    sems = ((s0a, s0b, s0c), (s1a, s1b, s1c))

    def _fire(b, ci):
        cb = ci * _CH
        idx_m = gidx_v.at[pl.ds(cb, _CH)]
        idx_d = dst_v.at[pl.ds(cb, _CH)]
        return (pltpu.async_copy(hW_hbm.at[idx_m], msgb[b], sems[b][0]),
                pltpu.async_copy(comb_hbm.at[idx_m], a1b[b], sems[b][1]),
                pltpu.async_copy(hA2_hbm.at[idx_d], a2b[b], sems[b][2]))

    def _wait(b, ci):
        cb = ci * _CH
        idx_m = gidx_v.at[pl.ds(cb, _CH)]
        idx_d = dst_v.at[pl.ds(cb, _CH)]
        pltpu.make_async_copy(hW_hbm.at[idx_m], msgb[b], sems[b][0]).wait()
        pltpu.make_async_copy(comb_hbm.at[idx_m], a1b[b], sems[b][1]).wait()
        pltpu.make_async_copy(hA2_hbm.at[idx_d], a2b[b], sems[b][2]).wait()

    def _process(b, ci):
        msgc, a1c, a2c = msgb[b], a1b[b], a2b[b]
        cb = ci * _CH
        for g in range(_CH // 16):
            def _edge_dot(ee, _, g=g):
                e = g * 16 + ee
                vacc = jnp.zeros((16,), jnp.float32)
                for j in range(_G16):
                    sl = pl.ds(j * 16, 16)
                    pre = jnp.maximum(a1c[e, sl] + a2c[e, sl], 0.0)
                    vacc = vacc + pre * bwv[j]
                vbuf[ee, :] = vacc
                return 0
            lax.fori_loop(0, 16, _edge_dot, 0)
            tv = jnp.zeros((16,), jnp.float32)
            for j in range(16):
                tv = tv + plsc.load_gather(
                    vbuf, [eidx, jnp.full((16,), j, jnp.int32)])
            av = 1.0 / (1.0 + jnp.exp(-(tv + bbv)))
            tbuf[pl.ds(g * 16, 16)] = av * norm_v[pl.ds(cb + g * 16, 16)]

        def _edge_scale(e, _):
            sc = plsc.load_gather(tbuf, [jnp.full((16,), e, jnp.int32)])
            for j in range(_G16):
                sl = pl.ds(j * 16, 16)
                msgc[e, sl] = msgc[e, sl] * sc
            return 0
        lax.fori_loop(0, _CH, _edge_scale, 0)

        for g in range(_CH // 16):
            dstc[pl.ds(g * 16, 16)] = dst_v[pl.ds(cb + g * 16, 16)]
        pltpu.sync_copy(msgc, agg_sh.at[dstc], add=True)

    _fire(0, 0)
    _fire(1, 1)

    def _ring_body(g, _):
        c0 = 2 * g
        _wait(0, c0)
        _process(0, c0)

        @pl.when(c0 + 2 < _NCH)
        def _():
            _fire(0, c0 + 2)

        c1 = 2 * g + 1
        _wait(1, c1)
        _process(1, c1)

        @pl.when(c1 + 2 < _NCH)
        def _():
            _fire(1, c1 + 2)
        return 0

    lax.fori_loop(0, _NCH // 2, _ring_body, 0)

    plsc.subcore_barrier()
    rb = sid * _RPS
    pltpu.sync_copy(agg_sh.at[pl.ds(rb, _RPS)],
                    out_hbm.at[cid, pl.ds(rb, _RPS)])

    @pl.when(sid == _NS - 1)
    def _flush_tail():
        pltpu.sync_copy(agg_sh.at[pl.ds(_RPS * _NS, _N_TAIL)],
                        out_hbm.at[cid, pl.ds(_RPS * _NS, _N_TAIL)])


@functools.partial(jax.jit, static_argnames=())
def _edge_phase(hW_flat, comb_flat, hA2, gidx_p, dst_p, norm_p, bw, bb16):
    mesh = plsc.VectorSubcoreMesh(core_axis_name="c", subcore_axis_name="s")
    f32 = jnp.float32
    i32 = jnp.int32
    kern = functools.partial(
        pl.kernel,
        mesh=mesh,
        compiler_params=pltpu.CompilerParams(needs_layout_passes=False),
        out_type=jax.ShapeDtypeStruct((_NC, _N, _EMB), f32),
        scratch_types=[
            pltpu.VMEM((_EPT,), i32),
            pltpu.VMEM((_EPT,), i32),
            pltpu.VMEM((_EPT,), f32),
            pltpu.VMEM((_CH, _EMB), f32),
            pltpu.VMEM((_CH, _EMB), f32),
            pltpu.VMEM((_CH, _EMB), f32),
            pltpu.VMEM((_CH, _EMB), f32),
            pltpu.VMEM((_CH, _EMB), f32),
            pltpu.VMEM((_CH, _EMB), f32),
            pltpu.VMEM((_CH,), i32),
            pltpu.VMEM((_CH,), f32),
            pltpu.VMEM((16, 16), f32),
            pltpu.VMEM((_EMB,), f32),
            pltpu.VMEM((16,), f32),
            pltpu.VMEM((16, _EMB), f32),
            pltpu.VMEM_SHARED((_N, _EMB), f32),
            pltpu.SemaphoreType.DMA,
            pltpu.SemaphoreType.DMA,
            pltpu.SemaphoreType.DMA,
            pltpu.SemaphoreType.DMA,
            pltpu.SemaphoreType.DMA,
            pltpu.SemaphoreType.DMA,
        ],
    )(_edge_sc_kernel)
    return kern(hW_flat, comb_flat, hA2, gidx_p, dst_p, norm_p, bw, bb16)


def kernel(x, edge_index, edge_type, norm, basis, w_comp, w_self, bias, A_w, A_b, B_w, B_b, attn_emb, bn_gamma, bn_beta):
    pad = _E_PAD - _E
    src_p = jnp.pad(edge_index[0].astype(jnp.int32), (0, pad))
    dst_p = jnp.pad(edge_index[1].astype(jnp.int32), (0, pad))
    typ_p = jnp.pad(edge_type.astype(jnp.int32), (0, pad))
    gidx_p = typ_p * _N + src_p
    norm_p = jnp.pad(norm[:, 0], (0, pad))

    h = x
    h_in = x
    for l in range(_NUM_LAYERS):
        if l > 0:
            h_in = h
        weight = jnp.einsum('rb,bio->rio', w_comp[l, :_NUM_RELS], basis[l])
        A1 = A_w[l, :_EMB]
        A2 = A_w[l, _EMB:2 * _EMB]
        A3 = A_w[l, 2 * _EMB:2 * _EMB + _ATTN]
        A4 = A_w[l, 2 * _EMB + _ATTN:]
        w_all = jnp.concatenate(
            [weight, A1[None], A2[None], w_self[l][None]], axis=0)
        y = _stacked_matmul(h, w_all)
        hW_flat = y[:_NUM_RELS].reshape(_NUM_RELS * _N, _EMB)
        hA1 = y[_NUM_RELS]
        hA2 = y[_NUM_RELS + 1]
        hs = y[_NUM_RELS + 2]
        relb = attn_emb @ (A3 + A4) + A_b[l]
        comb = _build_comb(hA1, relb).reshape(_NUM_RELS * _N, _EMB)
        bb16 = jnp.full((16,), B_b[l, 0], jnp.float32)
        agg2 = _edge_phase(hW_flat, comb, hA2, gidx_p, dst_p, norm_p,
                           B_w[l, :, 0], bb16)
        h = _post_layer(hs, agg2, bias[l])

    stats = _bn_stats(h)[0]
    mean = stats[0] / _N
    var = stats[1] / _N - mean * mean
    inv = bn_gamma / jnp.sqrt(var + 1e-5)
    scale = inv
    shift = bn_beta - mean * inv
    return _bn_apply(h, h_in, scale, shift)

# --- scband reference (transcript-rebuilt; emitter-appended) ---
"""Pipeline reference for scband-rgcn-1-69200513073287 (READ-ONLY COPY).

The authoritative reference and input builder live on the scoring server;
editing this copy changes nothing except your own understanding.
"""

import jax, jax.numpy as jnp
import numpy as np

N = 10000
E = 160000
INP = 128
EMB = 128
ATTN = 32
NUM_RELS = 8
AUG_RELS = 16
NUM_BASES = 4
NUM_LAYERS = 3


def setup_inputs(seed: int = 0) -> dict:
    key = jax.random.key(seed)
    ks = jax.random.split(key, 16)
    x = jax.random.normal(ks[0], (N, INP), dtype=jnp.float32)
    edge_index = jax.random.randint(ks[1], (2, E), 0, N)
    edge_type = jax.random.randint(ks[2], (E,), 0, NUM_RELS)
    norm = jax.random.uniform(ks[3], (E, 1), dtype=jnp.float32)
    basis = jax.random.normal(ks[4], (NUM_LAYERS, NUM_BASES, EMB, EMB), dtype=jnp.float32) * 0.05
    w_comp = jax.random.normal(ks[5], (NUM_LAYERS, AUG_RELS, NUM_BASES), dtype=jnp.float32) * 0.3
    w_self = jax.random.normal(ks[6], (NUM_LAYERS, EMB, EMB), dtype=jnp.float32) * 0.05
    bias = jnp.zeros((NUM_LAYERS, EMB), dtype=jnp.float32)
    A_w = jax.random.normal(ks[7], (NUM_LAYERS, 2 * EMB + 2 * ATTN, EMB), dtype=jnp.float32) * 0.05
    A_b = jnp.zeros((NUM_LAYERS, EMB), dtype=jnp.float32)
    B_w = jax.random.normal(ks[8], (NUM_LAYERS, EMB, 1), dtype=jnp.float32) * 0.05
    B_b = jnp.zeros((NUM_LAYERS, 1), dtype=jnp.float32)
    attn_emb = jax.random.normal(ks[9], (NUM_RELS, ATTN), dtype=jnp.float32) * 0.1
    bn_gamma = jnp.ones((EMB,), dtype=jnp.float32)
    bn_beta = jnp.zeros((EMB,), dtype=jnp.float32)
    return {"x": x, "edge_index": edge_index, "edge_type": edge_type, "norm": norm,
            "basis": basis, "w_comp": w_comp, "w_self": w_self, "bias": bias,
            "A_w": A_w, "A_b": A_b, "B_w": B_w, "B_b": B_b,
            "attn_emb": attn_emb, "bn_gamma": bn_gamma, "bn_beta": bn_beta}


def reference(x, edge_index, edge_type, norm, basis, w_comp, w_self, bias, A_w, A_b, B_w, B_b, attn_emb, bn_gamma, bn_beta):
    src = edge_index[0]
    dst = edge_index[1]
    h = x
    h_in = x
    for l in range(NUM_LAYERS):
        if l > 0:
            h_in = h  # h from previous layer, as in torch forward's g.ndata.get('h') check
        # basis decomposition: weight[r] = sum_b w_comp[r,b] * basis[b]
        weight = jnp.einsum('rb,bio->rio', w_comp[l], basis[l])  # [AUG_RELS, EMB, EMB]
        # msg_e = h[src_e] @ weight[type_e]; computed as (h @ weight[r]) gathered by (type, src)
        hW = jnp.einsum('ni,rio->rno', h, weight)  # [AUG_RELS, N, EMB]
        msg = hW[edge_type, src] * norm  # [E, EMB]
        # attention a = sigmoid(B(relu(A(cat(h_src, h_dst, rel_emb(type), rel_emb(label))))))
        A1 = A_w[l, :EMB]
        A2 = A_w[l, EMB:2 * EMB]
        A3 = A_w[l, 2 * EMB:2 * EMB + ATTN]
        A4 = A_w[l, 2 * EMB + ATTN:]
        rel_term = attn_emb @ (A3 + A4)  # [NUM_RELS, EMB] (label == type here)
        pre = (h @ A1)[src] + (h @ A2)[dst] + rel_term[edge_type] + A_b[l]
        a = jax.nn.sigmoid(jax.nn.relu(pre) @ B_w[l] + B_b[l])  # [E, 1]
        # sum aggregation of attended messages + self-loop (curr_emb)
        agg = jax.ops.segment_sum(msg * a, dst, num_segments=N)
        h = jax.nn.relu(h @ w_self[l] + agg + bias[l])
    # batchnorm (training-mode batch statistics), then residual with pre-last-layer h
    mean = jnp.mean(h, axis=0)
    var = jnp.var(h, axis=0)
    h_bn = (h - mean) / jnp.sqrt(var + 1e-5) * bn_gamma + bn_beta
    return h_in + h_bn

if __name__ == "__main__":
    import jax
    _d = setup_inputs()
    print(jax.jit(kernel)(*tuple(_d.values())))

</pallas_src>

<mosaic_0001>
#map = affine_map<(d0, d1) -> (0, 0)>
#map1 = affine_map<(d0, d1) -> (0)>
#map2 = affine_map<(d0, d1) -> (0, 0, 0)>
module attributes {stable_mosaic.version = 14 : i64} {
  func.func @_edge_sc_kernel(%arg0: i32, %arg1: i32, %arg2: memref<80000x128xf32, #tpu.memory_space<hbm>>, %arg3: memref<80000x128xf32, #tpu.memory_space<hbm>>, %arg4: memref<10000x128xf32, #tpu.memory_space<hbm>>, %arg5: memref<161792xi32, #tpu.memory_space<hbm>>, %arg6: memref<161792xi32, #tpu.memory_space<hbm>>, %arg7: memref<161792xf32, #tpu.memory_space<hbm>>, %arg8: memref<128xf32, #tpu.memory_space<hbm>>, %arg9: memref<16xf32, #tpu.memory_space<hbm>>, %arg10: memref<2x10000x128xf32, #tpu.memory_space<hbm>>, %arg11: memref<5056xi32, #tpu.memory_space<vmem>>, %arg12: memref<5056xi32, #tpu.memory_space<vmem>>, %arg13: memref<5056xf32, #tpu.memory_space<vmem>>, %arg14: memref<32x128xf32, #tpu.memory_space<vmem>>, %arg15: memref<32x128xf32, #tpu.memory_space<vmem>>, %arg16: memref<32x128xf32, #tpu.memory_space<vmem>>, %arg17: memref<32x128xf32, #tpu.memory_space<vmem>>, %arg18: memref<32x128xf32, #tpu.memory_space<vmem>>, %arg19: memref<32x128xf32, #tpu.memory_space<vmem>>, %arg20: memref<32xi32, #tpu.memory_space<vmem>>, %arg21: memref<32xf32, #tpu.memory_space<vmem>>, %arg22: memref<16x16xf32, #tpu.memory_space<vmem>>, %arg23: memref<128xf32, #tpu.memory_space<vmem>>, %arg24: memref<16xf32, #tpu.memory_space<vmem>>, %arg25: memref<16x128xf32, #tpu.memory_space<vmem>>, %arg26: memref<10000x128xf32, #tpu.memory_space<vmem_shared>>, %arg27: memref<!tpu.dma_semaphore, #tpu.memory_space<semaphore_mem>>, %arg28: memref<!tpu.dma_semaphore, #tpu.memory_space<semaphore_mem>>, %arg29: memref<!tpu.dma_semaphore, #tpu.memory_space<semaphore_mem>>, %arg30: memref<!tpu.dma_semaphore, #tpu.memory_space<semaphore_mem>>, %arg31: memref<!tpu.dma_semaphore, #tpu.memory_space<semaphore_mem>>, %arg32: memref<!tpu.dma_semaphore, #tpu.memory_space<semaphore_mem>>) attributes {dimension_semantics = [#tpu.dimension_semantics<core_parallel>, #tpu.dimension_semantics<subcore_parallel>], iteration_bounds = array<i64: 2, 16>, scalar_prefetch = 0 : i64, scratch_operands = 22 : i64, tpu.core_type = #tpu.core_type<sc_vector_subcore>, window_params = [{transform_indices = #map}, {transform_indices = #map}, {transform_indices = #map}, {transform_indices = #map1}, {transform_indices = #map1}, {transform_indices = #map1}, {transform_indices = #map1}, {transform_indices = #map1}, {transform_indices = #map2}]} {
    %mul3A = arith.constant 2 : i32
    %mul3A_0 = arith.muli %arg1, %mul3A : i32
    %add3A = arith.addi %mul3A_0, %arg0 : i32
    %mul3A_1 = arith.constant 5056 : i32
    %mul3A_2 = arith.muli %add3A, %mul3A_1 : i32
    "tpu.region"() ({
      %run_scoped3A = tpu.sem_alloc : memref<!tpu.dma_semaphore, #tpu.memory_space<semaphore_mem>>
      %dma_start3A_79 = tpu.memref_slice %arg5[%mul3A_2] : memref<161792xi32, #tpu.memory_space<hbm>> -> memref<5056xi32, #tpu.memory_space<hbm>>
      %dma_start3A_80 = tpu.memref_slice %arg5[%mul3A_2] : memref<161792xi32, #tpu.memory_space<hbm>> -> memref<5056xi32, #tpu.memory_space<hbm>>
      tpu.enqueue_dma source(%dma_start3A_80 : memref<5056xi32, #tpu.memory_space<hbm>>) target(%arg11 : memref<5056xi32, #tpu.memory_space<vmem>>) target_semaphore(%run_scoped3A : memref<!tpu.dma_semaphore, #tpu.memory_space<semaphore_mem>>)
      %dma_wait3A = tpu.memref_slice %arg5[%mul3A_2] : memref<161792xi32, #tpu.memory_space<hbm>> -> memref<5056xi32, #tpu.memory_space<hbm>>
      %dma_wait3A_81 = tpu.memref_slice %arg5[%mul3A_2] : memref<161792xi32, #tpu.memory_space<hbm>> -> memref<5056xi32, #tpu.memory_space<hbm>>
      tpu.wait_dma2 semaphore(%run_scoped3A : memref<!tpu.dma_semaphore, #tpu.memory_space<semaphore_mem>>) src(%dma_wait3A_81 : memref<5056xi32, #tpu.memory_space<hbm>>) dst(%arg11 : memref<5056xi32, #tpu.memory_space<vmem>>)
      tpu.yield
    }) : () -> ()
    "tpu.region"() ({
      %run_scoped3A = tpu.sem_alloc : memref<!tpu.dma_semaphore, #tpu.memory_space<semaphore_mem>>
      %dma_start3A_79 = tpu.memref_slice %arg6[%mul3A_2] : memref<161792xi32, #tpu.memory_space<hbm>> -> memref<5056xi32, #tpu.memory_space<hbm>>
      %dma_start3A_80 = tpu.memref_slice %arg6[%mul3A_2] : memref<161792xi32, #tpu.memory_space<hbm>> -> memref<5056xi32, #tpu.memory_space<hbm>>
      tpu.enqueue_dma source(%dma_start3A_80 : memref<5056xi32, #tpu.memory_space<hbm>>) target(%arg12 : memref<5056xi32, #tpu.memory_space<vmem>>) target_semaphore(%run_scoped3A : memref<!tpu.dma_semaphore, #tpu.memory_space<semaphore_mem>>)
      %dma_wait3A = tpu.memref_slice %arg6[%mul3A_2] : memref<161792xi32, #tpu.memory_space<hbm>> -> memref<5056xi32, #tpu.memory_space<hbm>>
      %dma_wait3A_81 = tpu.memref_slice %arg6[%mul3A_2] : memref<161792xi32, #tpu.memory_space<hbm>> -> memref<5056xi32, #tpu.memory_space<hbm>>
      tpu.wait_dma2 semaphore(%run_scoped3A : memref<!tpu.dma_semaphore, #tpu.memory_space<semaphore_mem>>) src(%dma_wait3A_81 : memref<5056xi32, #tpu.memory_space<hbm>>) dst(%arg12 : memref<5056xi32, #tpu.memory_space<vmem>>)
      tpu.yield
    }) : () -> ()
    "tpu.region"() ({
      %run_scoped3A = tpu.sem_alloc : memref<!tpu.dma_semaphore, #tpu.memory_space<semaphore_mem>>
      %dma_start3A_79 = tpu.memref_slice %arg7[%mul3A_2] : memref<161792xf32, #tpu.memory_space<hbm>> -> memref<5056xf32, #tpu.memory_space<hbm>>
      %dma_start3A_80 = tpu.memref_slice %arg7[%mul3A_2] : memref<161792xf32, #tpu.memory_space<hbm>> -> memref<5056xf32, #tpu.memory_space<hbm>>
      tpu.enqueue_dma source(%dma_start3A_80 : memref<5056xf32, #tpu.memory_space<hbm>>) target(%arg13 : memref<5056xf32, #tpu.memory_space<vmem>>) target_semaphore(%run_scoped3A : memref<!tpu.dma_semaphore, #tpu.memory_space<semaphore_mem>>)
      %dma_wait3A = tpu.memref_slice %arg7[%mul3A_2] : memref<161792xf32, #tpu.memory_space<hbm>> -> memref<5056xf32, #tpu.memory_space<hbm>>
      %dma_wait3A_81 = tpu.memref_slice %arg7[%mul3A_2] : memref<161792xf32, #tpu.memory_space<hbm>> -> memref<5056xf32, #tpu.memory_space<hbm>>
      tpu.wait_dma2 semaphore(%run_scoped3A : memref<!tpu.dma_semaphore, #tpu.memory_space<semaphore_mem>>) src(%dma_wait3A_81 : memref<5056xf32, #tpu.memory_space<hbm>>) dst(%arg13 : memref<5056xf32, #tpu.memory_space<vmem>>)
      tpu.yield
    }) : () -> ()
    "tpu.region"() ({
      %run_scoped3A = tpu.sem_alloc : memref<!tpu.dma_semaphore, #tpu.memory_space<semaphore_mem>>
      tpu.enqueue_dma source(%arg8 : memref<128xf32, #tpu.memory_space<hbm>>) target(%arg23 : memref<128xf32, #tpu.memory_space<vmem>>) target_semaphore(%run_scoped3A : memref<!tpu.dma_semaphore, #tpu.memory_space<semaphore_mem>>)
      tpu.wait_dma2 semaphore(%run_scoped3A : memref<!tpu.dma_semaphore, #tpu.memory_space<semaphore_mem>>) src(%arg8 : memref<128xf32, #tpu.memory_space<hbm>>) dst(%arg23 : memref<128xf32, #tpu.memory_space<vmem>>)
      tpu.yield
    }) : () -> ()
    "tpu.region"() ({
      %run_scoped3A = tpu.sem_alloc : memref<!tpu.dma_semaphore, #tpu.memory_space<semaphore_mem>>
      tpu.enqueue_dma source(%arg9 : memref<16xf32, #tpu.memory_space<hbm>>) target(%arg24 : memref<16xf32, #tpu.memory_space<vmem>>) target_semaphore(%run_scoped3A : memref<!tpu.dma_semaphore, #tpu.memory_space<semaphore_mem>>)
      tpu.wait_dma2 semaphore(%run_scoped3A : memref<!tpu.dma_semaphore, #tpu.memory_space<semaphore_mem>>) src(%arg9 : memref<16xf32, #tpu.memory_space<hbm>>) dst(%arg24 : memref<16xf32, #tpu.memory_space<vmem>>)
      tpu.yield
    }) : () -> ()
    %scan3A = arith.constant 0 : i32
    %scan3A_3 = arith.constant 0 : i32
    %scan3A_4 = arith.constant 16 : i32
    %scan3A_5 = arith.addi %scan3A_3, %scan3A_4 : i32
    %scan3A_6 = arith.constant 1 : i32
    %scan3A_7 = scf.for %scan3A_79 = %scan3A_3 to %scan3A_5 step %scan3A_6 iter_args(%scan3A_80 = %scan3A) -> (i32)  : i32 {
      %broadcast_in_dim3A = arith.constant 0.000000e+00 : f32
      %broadcast_in_dim3A_81 = vector.broadcast %broadcast_in_dim3A : f32 to vector<16xf32>
      %swap3A = arith.index_cast %scan3A_79 : i32 to index
      %swap3A_82 = arith.constant 0 : index
      %swap3A_83 = tpu.vector_load %arg25[%swap3A, %swap3A_82] {strides = array<i32>} : memref<16x128xf32, #tpu.memory_space<vmem>>, vector<16xf32>,
      tpu.vector_store %arg25[%swap3A, %swap3A_82], %broadcast_in_dim3A_81 {strides = array<i32>} : memref<16x128xf32, #tpu.memory_space<vmem>>, vector<16xf32>,
      %broadcast_in_dim3A_84 = arith.constant 0.000000e+00 : f32
      %broadcast_in_dim3A_85 = vector.broadcast %broadcast_in_dim3A_84 : f32 to vector<16xf32>
      %swap3A_86 = arith.index_cast %scan3A_79 : i32 to index
      %swap3A_87 = arith.constant 16 : index
      %swap3A_88 = tpu.vector_load %arg25[%swap3A_86, %swap3A_87] {strides = array<i32>} : memref<16x128xf32, #tpu.memory_space<vmem>>, vector<16xf32>,
      tpu.vector_store %arg25[%swap3A_86, %swap3A_87], %broadcast_in_dim3A_85 {strides = array<i32>} : memref<16x128xf32, #tpu.memory_space<vmem>>, vector<16xf32>,
      %broadcast_in_dim3A_89 = arith.constant 0.000000e+00 : f32
      %broadcast_in_dim3A_90 = vector.broadcast %broadcast_in_dim3A_89 : f32 to vector<16xf32>
      %swap3A_91 = arith.index_cast %scan3A_79 : i32 to index
      %swap3A_92 = arith.constant 32 : index
      %swap3A_93 = tpu.vector_load %arg25[%swap3A_91, %swap3A_92] {strides = array<i32>} : memref<16x128xf32, #tpu.memory_space<vmem>>, vector<16xf32>,
      tpu.vector_store %arg25[%swap3A_91, %swap3A_92], %broadcast_in_dim3A_90 {strides = array<i32>} : memref<16x128xf32, #tpu.memory_space<vmem>>, vector<16xf32>,
      %broadcast_in_dim3A_94 = arith.constant 0.000000e+00 : f32
      %broadcast_in_dim3A_95 = vector.broadcast %broadcast_in_dim3A_94 : f32 to vector<16xf32>
      %swap3A_96 = arith.index_cast %scan3A_79 : i32 to index
      %swap3A_97 = arith.constant 48 : index
      %swap3A_98 = tpu.vector_load %arg25[%swap3A_96, %swap3A_97] {strides = array<i32>} : memref<16x128xf32, #tpu.memory_space<vmem>>, vector<16xf32>,
      tpu.vector_store %arg25[%swap3A_96, %swap3A_97], %broadcast_in_dim3A_95 {strides = array<i32>} : memref<16x128xf32, #tpu.memory_space<vmem>>, vector<16xf32>,
      %broadcast_in_dim3A_99 = arith.constant 0.000000e+00 : f32
      %broadcast_in_dim3A_100 = vector.broadcast %broadcast_in_dim3A_99 : f32 to vector<16xf32>
      %swap3A_101 = arith.index_cast %scan3A_79 : i32 to index
      %swap3A_102 = arith.constant 64 : index
      %swap3A_103 = tpu.vector_load %arg25[%swap3A_101, %swap3A_102] {strides = array<i32>} : memref<16x128xf32, #tpu.memory_space<vmem>>, vector<16xf32>,
      tpu.vector_store %arg25[%swap3A_101, %swap3A_102], %broadcast_in_dim3A_100 {strides = array<i32>} : memref<16x128xf32, #tpu.memory_space<vmem>>, vector<16xf32>,
      %broadcast_in_dim3A_104 = arith.constant 0.000000e+00 : f32
      %broadcast_in_dim3A_105 = vector.broadcast %broadcast_in_dim3A_104 : f32 to vector<16xf32>
      %swap3A_106 = arith.index_cast %scan3A_79 : i32 to index
      %swap3A_107 = arith.constant 80 : index
      %swap3A_108 = tpu.vector_load %arg25[%swap3A_106, %swap3A_107] {strides = array<i32>} : memref<16x128xf32, #tpu.memory_space<vmem>>, vector<16xf32>,
      tpu.vector_store %arg25[%swap3A_106, %swap3A_107], %broadcast_in_dim3A_105 {strides = array<i32>} : memref<16x128xf32, #tpu.memory_space<vmem>>, vector<16xf32>,
      %broadcast_in_dim3A_109 = arith.constant 0.000000e+00 : f32
      %broadcast_in_dim3A_110 = vector.broadcast %broadcast_in_dim3A_109 : f32 to vector<16xf32>
      %swap3A_111 = arith.index_cast %scan3A_79 : i32 to index
      %swap3A_112 = arith.constant 96 : index
      %swap3A_113 = tpu.vector_load %arg25[%swap3A_111, %swap3A_112] {strides = array<i32>} : memref<16x128xf32, #tpu.memory_space<vmem>>, vector<16xf32>,
      tpu.vector_store %arg25[%swap3A_111, %swap3A_112], %broadcast_in_dim3A_110 {strides = array<i32>} : memref<16x128xf32, #tpu.memory_space<vmem>>, vector<16xf32>,
      %broadcast_in_dim3A_114 = arith.constant 0.000000e+00 : f32
      %broadcast_in_dim3A_115 = vector.broadcast %broadcast_in_dim3A_114 : f32 to vector<16xf32>
      %swap3A_116 = arith.index_cast %scan3A_79 : i32 to index
      %swap3A_117 = arith.constant 112 : index
      %swap3A_118 = tpu.vector_load %arg25[%swap3A_116, %swap3A_117] {strides = array<i32>} : memref<16x128xf32, #tpu.memory_space<vmem>>, vector<16xf32>,
      tpu.vector_store %arg25[%swap3A_116, %swap3A_117], %broadcast_in_dim3A_115 {strides = array<i32>} : memref<16x128xf32, #tpu.memory_space<vmem>>, vector<16xf32>,
      %scan3A_119 = arith.constant 0 : i32
      scf.yield %scan3A_119 : i32
    }
    %scan3A_8 = arith.constant 16 : i32
    %scan3A_9 = arith.constant 0 : i32
    %scan3A_10 = arith.constant 0 : i32
    %scan3A_11 = arith.constant 39 : i32
    %scan3A_12 = arith.addi %scan3A_10, %scan3A_11 : i32
    %scan3A_13 = arith.constant 1 : i32
    %scan3A_14 = scf.for %scan3A_79 = %scan3A_10 to %scan3A_12 step %scan3A_13 iter_args(%scan3A_80 = %scan3A_9) -> (i32)  : i32 {
      %mul3A_81 = arith.constant 624 : i32
      %mul3A_82 = arith.muli %arg1, %mul3A_81 : i32
      %mul3A_83 = arith.constant 16 : i32
      %mul3A_84 = arith.muli %scan3A_79, %mul3A_83 : i32
      %add3A_85 = arith.addi %mul3A_82, %mul3A_84 : i32
      "tpu.region"() ({
        %run_scoped3A = tpu.sem_alloc : memref<!tpu.dma_semaphore, #tpu.memory_space<semaphore_mem>>
        %dma_start3A_87 = arith.constant 0 : i32
        %dma_start3A_88 = tpu.memref_slice %arg26[%add3A_85, %dma_start3A_87] : memref<10000x128xf32, #tpu.memory_space<vmem_shared>> -> memref<16x128xf32, #tpu.memory_space<vmem_shared>>
        %dma_start3A_89 = arith.constant 0 : i32
        %dma_start3A_90 = tpu.memref_slice %arg26[%add3A_85, %dma_start3A_89] : memref<10000x128xf32, #tpu.memory_space<vmem_shared>> -> memref<16x128xf32, #tpu.memory_space<vmem_shared>>
        tpu.enqueue_dma source(%arg25 : memref<16x128xf32, #tpu.memory_space<vmem>>) target(%dma_start3A_90 : memref<16x128xf32, #tpu.memory_space<vmem_shared>>) target_semaphore(%run_scoped3A : memref<!tpu.dma_semaphore, #tpu.memory_space<semaphore_mem>>)
        %dma_wait3A = arith.constant 0 : i32
        %dma_wait3A_91 = tpu.memref_slice %arg26[%add3A_85, %dma_wait3A] : memref<10000x128xf32, #tpu.memory_space<vmem_shared>> -> memref<16x128xf32, #tpu.memory_space<vmem_shared>>
        %dma_wait3A_92 = arith.constant 0 : i32
        %dma_wait3A_93 = tpu.memref_slice %arg26[%add3A_85, %dma_wait3A_92] : memref<10000x128xf32, #tpu.memory_space<vmem_shared>> -> memref<16x128xf32, #tpu.memory_space<vmem_shared>>
        tpu.wait_dma2 semaphore(%run_scoped3A : memref<!tpu.dma_semaphore, #tpu.memory_space<semaphore_mem>>) src(%arg25 : memref<16x128xf32, #tpu.memory_space<vmem>>) dst(%dma_wait3A_93 : memref<16x128xf32, #tpu.memory_space<vmem_shared>>)
        tpu.yield
      }) : () -> ()
      %scan3A_86 = arith.constant 0 : i32
      scf.yield %scan3A_86 : i32
    }
    %scan3A_15 = arith.constant 39 : i32
    %eq3A = arith.constant 15 : i32
    %eq3A_16 = arith.cmpi eq, %arg1, %eq3A : i32
    %convert_element_type3A = arith.extui %eq3A_16 : i1 to i32
    %cond3A = arith.constant 0 : i32
    %cond3A_17 = arith.cmpi ne, %convert_element_type3A, %cond3A : i32
    scf.if %cond3A_17 {
      "tpu.region"() ({
        %run_scoped3A = tpu.sem_alloc : memref<!tpu.dma_semaphore, #tpu.memory_space<semaphore_mem>>
        %dma_start3A_79 = arith.constant 9984 : i32
        %dma_start3A_80 = arith.constant 0 : i32
        %dma_start3A_81 = tpu.memref_slice %arg26[%dma_start3A_79, %dma_start3A_80] : memref<10000x128xf32, #tpu.memory_space<vmem_shared>> -> memref<16x128xf32, #tpu.memory_space<vmem_shared>>
        %dma_start3A_82 = arith.constant 9984 : i32
        %dma_start3A_83 = arith.constant 0 : i32
        %dma_start3A_84 = tpu.memref_slice %arg26[%dma_start3A_82, %dma_start3A_83] : memref<10000x128xf32, #tpu.memory_space<vmem_shared>> -> memref<16x128xf32, #tpu.memory_space<vmem_shared>>
        tpu.enqueue_dma source(%arg25 : memref<16x128xf32, #tpu.memory_space<vmem>>) target(%dma_start3A_84 : memref<16x128xf32, #tpu.memory_space<vmem_shared>>) target_semaphore(%run_scoped3A : memref<!tpu.dma_semaphore, #tpu.memory_space<semaphore_mem>>)
        %dma_wait3A = arith.constant 9984 : i32
        %dma_wait3A_85 = arith.constant 0 : i32
        %dma_wait3A_86 = tpu.memref_slice %arg26[%dma_wait3A, %dma_wait3A_85] : memref<10000x128xf32, #tpu.memory_space<vmem_shared>> -> memref<16x128xf32, #tpu.memory_space<vmem_shared>>
        %dma_wait3A_87 = arith.constant 9984 : i32
        %dma_wait3A_88 = arith.constant 0 : i32
        %dma_wait3A_89 = tpu.memref_slice %arg26[%dma_wait3A_87, %dma_wait3A_88] : memref<10000x128xf32, #tpu.memory_space<vmem_shared>> -> memref<16x128xf32, #tpu.memory_space<vmem_shared>>
        tpu.wait_dma2 semaphore(%run_scoped3A : memref<!tpu.dma_semaphore, #tpu.memory_space<semaphore_mem>>) src(%arg25 : memref<16x128xf32, #tpu.memory_space<vmem>>) dst(%dma_wait3A_89 : memref<16x128xf32, #tpu.memory_space<vmem_shared>>)
        tpu.yield
      }) : () -> ()
    } else {
    }
    %barrier3A = arith.constant 0 : index
    tpu.barrier barrier_id(%barrier3A)
    %get3A = arith.constant 0 : index
    %get3A_18 = tpu.vector_load %arg23[%get3A] {strides = array<i32>} : memref<128xf32, #tpu.memory_space<vmem>>, vector<16xf32>,
    %get3A_19 = arith.constant 16 : index
    %get3A_20 = tpu.vector_load %arg23[%get3A_19] {strides = array<i32>} : memref<128xf32, #tpu.memory_space<vmem>>, vector<16xf32>,
    %get3A_21 = arith.constant 32 : index
    %get3A_22 = tpu.vector_load %arg23[%get3A_21] {strides = array<i32>} : memref<128xf32, #tpu.memory_space<vmem>>, vector<16xf32>,
    %get3A_23 = arith.constant 48 : index
    %get3A_24 = tpu.vector_load %arg23[%get3A_23] {strides = array<i32>} : memref<128xf32, #tpu.memory_space<vmem>>, vector<16xf32>,
    %get3A_25 = arith.constant 64 : index
    %get3A_26 = tpu.vector_load %arg23[%get3A_25] {strides = array<i32>} : memref<128xf32, #tpu.memory_space<vmem>>, vector<16xf32>,
    %get3A_27 = arith.constant 80 : index
    %get3A_28 = tpu.vector_load %arg23[%get3A_27] {strides = array<i32>} : memref<128xf32, #tpu.memory_space<vmem>>, vector<16xf32>,
    %get3A_29 = arith.constant 96 : index
    %get3A_30 = tpu.vector_load %arg23[%get3A_29] {strides = array<i32>} : memref<128xf32, #tpu.memory_space<vmem>>, vector<16xf32>,
    %get3A_31 = arith.constant 112 : index
    %get3A_32 = tpu.vector_load %arg23[%get3A_31] {strides = array<i32>} : memref<128xf32, #tpu.memory_space<vmem>>, vector<16xf32>,
    %get3A_33 = arith.constant 0 : index
    %get3A_34 = tpu.vector_load %arg24[%get3A_33] {strides = array<i32>} : memref<16xf32, #tpu.memory_space<vmem>>, vector<16xf32>,
    %iota3A = tpu.iota {dimensions = array<i32: 0>} : vector<16xi32>
    %dma_start3A = arith.constant 0 : i32
    %dma_start3A_35 = tpu.memref_slice %arg11[%dma_start3A] : memref<5056xi32, #tpu.memory_space<vmem>> -> memref<32xi32, #tpu.memory_space<vmem>>
    %dma_start3A_36 = arith.constant 0 : i32
    %dma_start3A_37 = arith.constant 0 : i32
    %dma_start3A_38 = tpu.memref_slice %arg2[%dma_start3A_36, %dma_start3A_37] : memref<80000x128xf32, #tpu.memory_space<hbm>> -> memref<80000x128xf32, #tpu.memory_space<hbm>>
    tpu.enqueue_indirect_dma source(%dma_start3A_38 : memref<80000x128xf32, #tpu.memory_space<hbm>>) target(%arg14 : memref<32x128xf32, #tpu.memory_space<vmem>>) offsets(%dma_start3A_35 : memref<32xi32, #tpu.memory_space<vmem>>) semaphore(%arg27 : memref<!tpu.dma_semaphore, #tpu.memory_space<semaphore_mem>>)
    %dma_start3A_39 = arith.constant 0 : i32
    %dma_start3A_40 = tpu.memref_slice %arg11[%dma_start3A_39] : memref<5056xi32, #tpu.memory_space<vmem>> -> memref<32xi32, #tpu.memory_space<vmem>>
    %dma_start3A_41 = arith.constant 0 : i32
    %dma_start3A_42 = arith.constant 0 : i32
    %dma_start3A_43 = tpu.memref_slice %arg3[%dma_start3A_41, %dma_start3A_42] : memref<80000x128xf32, #tpu.memory_space<hbm>> -> memref<80000x128xf32, #tpu.memory_space<hbm>>
    tpu.enqueue_indirect_dma source(%dma_start3A_43 : memref<80000x128xf32, #tpu.memory_space<hbm>>) target(%arg16 : memref<32x128xf32, #tpu.memory_space<vmem>>) offsets(%dma_start3A_40 : memref<32xi32, #tpu.memory_space<vmem>>) semaphore(%arg28 : memref<!tpu.dma_semaphore, #tpu.memory_space<semaphore_mem>>)
    %dma_start3A_44 = arith.constant 0 : i32
    %dma_start3A_45 = tpu.memref_slice %arg12[%dma_start3A_44] : memref<5056xi32, #tpu.memory_space<vmem>> -> memref<32xi32, #tpu.memory_space<vmem>>
    %dma_start3A_46 = arith.constant 0 : i32
    %dma_start3A_47 = arith.constant 0 : i32
    %dma_start3A_48 = tpu.memref_slice %arg4[%dma_start3A_46, %dma_start3A_47] : memref<10000x128xf32, #tpu.memory_space<hbm>> -> memref<10000x128xf32, #tpu.memory_space<hbm>>
    tpu.enqueue_indirect_dma source(%dma_start3A_48 : memref<10000x128xf32, #tpu.memory_space<hbm>>) target(%arg18 : memref<32x128xf32, #tpu.memory_space<vmem>>) offsets(%dma_start3A_45 : memref<32xi32, #tpu.memory_space<vmem>>) semaphore(%arg29 : memref<!tpu.dma_semaphore, #tpu.memory_space<semaphore_mem>>)
    %dma_start3A_49 = arith.constant 32 : i32
    %dma_start3A_50 = tpu.memref_slice %arg11[%dma_start3A_49] : memref<5056xi32, #tpu.memory_space<vmem>> -> memref<32xi32, #tpu.memory_space<vmem>>
    %dma_start3A_51 = arith.constant 0 : i32
    %dma_start3A_52 = arith.constant 0 : i32
    %dma_start3A_53 = tpu.memref_slice %arg2[%dma_start3A_51, %dma_start3A_52] : memref<80000x128xf32, #tpu.memory_space<hbm>> -> memref<80000x128xf32, #tpu.memory_space<hbm>>
    tpu.enqueue_indirect_dma source(%dma_start3A_53 : memref<80000x128xf32, #tpu.memory_space<hbm>>) target(%arg15 : memref<32x128xf32, #tpu.memory_space<vmem>>) offsets(%dma_start3A_50 : memref<32xi32, #tpu.memory_space<vmem>>) semaphore(%arg30 : memref<!tpu.dma_semaphore, #tpu.memory_space<semaphore_mem>>)
    %dma_start3A_54 = arith.constant 32 : i32
    %dma_start3A_55 = tpu.memref_slice %arg11[%dma_start3A_54] : memref<5056xi32, #tpu.memory_space<vmem>> -> memref<32xi32, #tpu.memory_space<vmem>>
    %dma_start3A_56 = arith.constant 0 : i32
    %dma_start3A_57 = arith.constant 0 : i32
    %dma_start3A_58 = tpu.memref_slice %arg3[%dma_start3A_56, %dma_start3A_57] : memref<80000x128xf32, #tpu.memory_space<hbm>> -> memref<80000x128xf32, #tpu.memory_space<hbm>>
    tpu.enqueue_indirect_dma source(%dma_start3A_58 : memref<80000x128xf32, #tpu.memory_space<hbm>>) target(%arg17 : memref<32x128xf32, #tpu.memory_space<vmem>>) offsets(%dma_start3A_55 : memref<32xi32, #tpu.memory_space<vmem>>) semaphore(%arg31 : memref<!tpu.dma_semaphore, #tpu.memory_space<semaphore_mem>>)
    %dma_start3A_59 = arith.constant 32 : i32
    %dma_start3A_60 = tpu.memref_slice %arg12[%dma_start3A_59] : memref<5056xi32, #tpu.memory_space<vmem>> -> memref<32xi32, #tpu.memory_space<vmem>>
    %dma_start3A_61 = arith.constant 0 : i32
    %dma_start3A_62 = arith.constant 0 : i32
    %dma_start3A_63 = tpu.memref_slice %arg4[%dma_start3A_61, %dma_start3A_62] : memref<10000x128xf32, #tpu.memory_space<hbm>> -> memref<10000x128xf32, #tpu.memory_space<hbm>>
    tpu.enqueue_indirect_dma source(%dma_start3A_63 : memref<10000x128xf32, #tpu.memory_space<hbm>>) target(%arg19 : memref<32x128xf32, #tpu.memory_space<vmem>>) offsets(%dma_start3A_60 : memref<32xi32, #tpu.memory_space<vmem>>) semaphore(%arg32 : memref<!tpu.dma_semaphore, #tpu.memory_space<semaphore_mem>>)
    %scan3A_64 = arith.constant 0 : i32
    %scan3A_65 = arith.constant 0 : i32
    %scan3A_66 = arith.constant 79 : i32
    %scan3A_67 = arith.addi %scan3A_65, %scan3A_66 : i32
    %scan3A_68 = arith.constant 1 : i32
    %scan3A_69 = scf.for %scan3A_79 = %scan3A_65 to %scan3A_67 step %scan3A_68 iter_args(%scan3A_80 = %scan3A_64) -> (i32)  : i32 {
      %mul3A_81 = arith.constant 2 : i32
      %mul3A_82 = arith.muli %mul3A_81, %scan3A_79 : i32
      %mul3A_83 = arith.constant 32 : i32
      %mul3A_84 = arith.muli %mul3A_82, %mul3A_83 : i32
      %dma_wait3A = tpu.memref_slice %arg11[%mul3A_84] : memref<5056xi32, #tpu.memory_space<vmem>> -> memref<32xi32, #tpu.memory_space<vmem>>
      %dma_wait3A_85 = arith.constant 0 : i32
      %dma_wait3A_86 = arith.constant 0 : i32
      %dma_wait3A_87 = tpu.memref_slice %arg2[%dma_wait3A_85, %dma_wait3A_86] : memref<80000x128xf32, #tpu.memory_space<hbm>> -> memref<80000x128xf32, #tpu.memory_space<hbm>>
      tpu.wait_indirect_dma semaphore(%arg27 : memref<!tpu.dma_semaphore, #tpu.memory_space<semaphore_mem>>) src(%dma_wait3A_87 : memref<80000x128xf32, #tpu.memory_space<hbm>>) dst(%arg14 : memref<32x128xf32, #tpu.memory_space<vmem>>)
      %dma_wait3A_88 = tpu.memref_slice %arg11[%mul3A_84] : memref<5056xi32, #tpu.memory_space<vmem>> -> memref<32xi32, #tpu.memory_space<vmem>>
      %dma_wait3A_89 = arith.constant 0 : i32
      %dma_wait3A_90 = arith.constant 0 : i32
      %dma_wait3A_91 = tpu.memref_slice %arg3[%dma_wait3A_89, %dma_wait3A_90] : memref<80000x128xf32, #tpu.memory_space<hbm>> -> memref<80000x128xf32, #tpu.memory_space<hbm>>
      tpu.wait_indirect_dma semaphore(%arg28 : memref<!tpu.dma_semaphore, #tpu.memory_space<semaphore_mem>>) src(%dma_wait3A_91 : memref<80000x128xf32, #tpu.memory_space<hbm>>) dst(%arg16 : memref<32x128xf32, #tpu.memory_space<vmem>>)
      %dma_wait3A_92 = tpu.memref_slice %arg12[%mul3A_84] : memref<5056xi32, #tpu.memory_space<vmem>> -> memref<32xi32, #tpu.memory_space<vmem>>
      %dma_wait3A_93 = arith.constant 0 : i32
      %dma_wait3A_94 = arith.constant 0 : i32
      %dma_wait3A_95 = tpu.memref_slice %arg4[%dma_wait3A_93, %dma_wait3A_94] : memref<10000x128xf32, #tpu.memory_space<hbm>> -> memref<10000x128xf32, #tpu.memory_space<hbm>>
      tpu.wait_indirect_dma semaphore(%arg29 : memref<!tpu.dma_semaphore, #tpu.memory_space<semaphore_mem>>) src(%dma_wait3A_95 : memref<10000x128xf32, #tpu.memory_space<hbm>>) dst(%arg18 : memref<32x128xf32, #tpu.memory_space<vmem>>)
      %mul3A_96 = arith.constant 32 : i32
      %mul3A_97 = arith.muli %mul3A_82, %mul3A_96 : i32
      %scan3A_98 = arith.constant 0 : i32
      %scan3A_99 = arith.constant 0 : i32
      %scan3A_100 = arith.constant 16 : i32
      %scan3A_101 = arith.addi %scan3A_99, %scan3A_100 : i32
      %scan3A_102 = arith.constant 1 : i32
      %scan3A_103 = scf.for %scan3A_528 = %scan3A_99 to %scan3A_101 step %scan3A_102 iter_args(%scan3A_529 = %scan3A_98) -> (i32)  : i32 {
        %add3A_530 = arith.constant 0 : i32
        %add3A_531 = arith.addi %add3A_530, %scan3A_528 : i32
        %broadcast_in_dim3A_532 = arith.constant 0.000000e+00 : f32
        %broadcast_in_dim3A_533 = vector.broadcast %broadcast_in_dim3A_532 : f32 to vector<16xf32>
        %get3A_534 = arith.index_cast %add3A_531 : i32 to index
        %get3A_535 = arith.constant 0 : index
        %get3A_536 = tpu.vector_load %arg16[%get3A_534, %get3A_535] {strides = array<i32>} : memref<32x128xf32, #tpu.memory_space<vmem>>, vector<16xf32>,
        %get3A_537 = arith.index_cast %add3A_531 : i32 to index
        %get3A_538 = arith.constant 0 : index
        %get3A_539 = tpu.vector_load %arg18[%get3A_537, %get3A_538] {strides = array<i32>} : memref<32x128xf32, #tpu.memory_space<vmem>>, vector<16xf32>,
        %add3A_540 = arith.addf %get3A_536, %get3A_539 : vector<16xf32>
        %max3A = arith.constant 0.000000e+00 : f32
        %max3A_541 = vector.broadcast %max3A : f32 to vector<16xf32>
        %max3A_542 = arith.maximumf %add3A_540, %max3A_541 : vector<16xf32>
        %mul3A_543 = arith.mulf %max3A_542, %get3A_18 : vector<16xf32>
        %add3A_544 = arith.addf %broadcast_in_dim3A_533, %mul3A_543 : vector<16xf32>
        %get3A_545 = arith.index_cast %add3A_531 : i32 to index
        %get3A_546 = arith.constant 16 : index
        %get3A_547 = tpu.vector_load %arg16[%get3A_545, %get3A_546] {strides = array<i32>} : memref<32x128xf32, #tpu.memory_space<vmem>>, vector<16xf32>,
        %get3A_548 = arith.index_cast %add3A_531 : i32 to index
        %get3A_549 = arith.constant 16 : index
        %get3A_550 = tpu.vector_load %arg18[%get3A_548, %get3A_549] {strides = array<i32>} : memref<32x128xf32, #tpu.memory_space<vmem>>, vector<16xf32>,
        %add3A_551 = arith.addf %get3A_547, %get3A_550 : vector<16xf32>
        %max3A_552 = arith.constant 0.000000e+00 : f32
        %max3A_553 = vector.broadcast %max3A_552 : f32 to vector<16xf32>
        %max3A_554 = arith.maximumf %add3A_551, %max3A_553 : vector<16xf32>
        %mul3A_555 = arith.mulf %max3A_554, %get3A_20 : vector<16xf32>
        %add3A_556 = arith.addf %add3A_544, %mul3A_555 : vector<16xf32>
        %get3A_557 = arith.index_cast %add3A_531 : i32 to index
        %get3A_558 = arith.constant 32 : index
        %get3A_559 = tpu.vector_load %arg16[%get3A_557, %get3A_558] {strides = array<i32>} : memref<32x128xf32, #tpu.memory_space<vmem>>, vector<16xf32>,
        %get3A_560 = arith.index_cast %add3A_531 : i32 to index
        %get3A_561 = arith.constant 32 : index
        %get3A_562 = tpu.vector_load %arg18[%get3A_560, %get3A_561] {strides = array<i32>} : memref<32x128xf32, #tpu.memory_space<vmem>>, vector<16xf32>,
        %add3A_563 = arith.addf %get3A_559, %get3A_562 : vector<16xf32>
        %max3A_564 = arith.constant 0.000000e+00 : f32
        %max3A_565 = vector.broadcast %max3A_564 : f32 to vector<16xf32>
        %max3A_566 = arith.maximumf %add3A_563, %max3A_565 : vector<16xf32>
        %mul3A_567 = arith.mulf %max3A_566, %get3A_22 : vector<16xf32>
        %add3A_568 = arith.addf %add3A_556, %mul3A_567 : vector<16xf32>
        %get3A_569 = arith.index_cast %add3A_531 : i32 to index
        %get3A_570 = arith.constant 48 : index
        %get3A_571 = tpu.vector_load %arg16[%get3A_569, %get3A_570] {strides = array<i32>} : memref<32x128xf32, #tpu.memory_space<vmem>>, vector<16xf32>,
        %get3A_572 = arith.index_cast %add3A_531 : i32 to index
        %get3A_573 = arith.constant 48 : index
        %get3A_574 = tpu.vector_load %arg18[%get3A_572, %get3A_573] {strides = array<i32>} : memref<32x128xf32, #tpu.memory_space<vmem>>, vector<16xf32>,
        %add3A_575 = arith.addf %get3A_571, %get3A_574 : vector<16xf32>
        %max3A_576 = arith.constant 0.000000e+00 : f32
        %max3A_577 = vector.broadcast %max3A_576 : f32 to vector<16xf32>
        %max3A_578 = arith.maximumf %add3A_575, %max3A_577 : vector<16xf32>
        %mul3A_579 = arith.mulf %max3A_578, %get3A_24 : vector<16xf32>
        %add3A_580 = arith.addf %add3A_568, %mul3A_579 : vector<16xf32>
        %get3A_581 = arith.index_cast %add3A_531 : i32 to index
        %get3A_582 = arith.constant 64 : index
        %get3A_583 = tpu.vector_load %arg16[%get3A_581, %get3A_582] {strides = array<i32>} : memref<32x128xf32, #tpu.memory_space<vmem>>, vector<16xf32>,
        %get3A_584 = arith.index_cast %add3A_531 : i32 to index
        %get3A_585 = arith.constant 64 : index
        %get3A_586 = tpu.vector_load %arg18[%get3A_584, %get3A_585] {strides = array<i32>} : memref<32x128xf32, #tpu.memory_space<vmem>>, vector<16xf32>,
        %add3A_587 = arith.addf %get3A_583, %get3A_586 : vector<16xf32>
        %max3A_588 = arith.constant 0.000000e+00 : f32
        %max3A_589 = vector.broadcast %max3A_588 : f32 to vector<16xf32>
        %max3A_590 = arith.maximumf %add3A_587, %max3A_589 : vector<16xf32>
        %mul3A_591 = arith.mulf %max3A_590, %get3A_26 : vector<16xf32>
        %add3A_592 = arith.addf %add3A_580, %mul3A_591 : vector<16xf32>
        %get3A_593 = arith.index_cast %add3A_531 : i32 to index
        %get3A_594 = arith.constant 80 : index
        %get3A_595 = tpu.vector_load %arg16[%get3A_593, %get3A_594] {strides = array<i32>} : memref<32x128xf32, #tpu.memory_space<vmem>>, vector<16xf32>,
        %get3A_596 = arith.index_cast %add3A_531 : i32 to index
        %get3A_597 = arith.constant 80 : index
        %get3A_598 = tpu.vector_load %arg18[%get3A_596, %get3A_597] {strides = array<i32>} : memref<32x128xf32, #tpu.memory_space<vmem>>, vector<16xf32>,
        %add3A_599 = arith.addf %get3A_595, %get3A_598 : vector<16xf32>
        %max3A_600 = arith.constant 0.000000e+00 : f32
        %max3A_601 = vector.broadcast %max3A_600 : f32 to vector<16xf32>
        %max3A_602 = arith.maximumf %add3A_599, %max3A_601 : vector<16xf32>
        %mul3A_603 = arith.mulf %max3A_602, %get3A_28 : vector<16xf32>
        %add3A_604 = arith.addf %add3A_592, %mul3A_603 : vector<16xf32>
        %get3A_605 = arith.index_cast %add3A_531 : i32 to index
        %get3A_606 = arith.constant 96 : index
        %get3A_607 = tpu.vector_load %arg16[%get3A_605, %get3A_606] {strides = array<i32>} : memref<32x128xf32, #tpu.memory_space<vmem>>, vector<16xf32>,
        %get3A_608 = arith.index_cast %add3A_531 : i32 to index
        %get3A_609 = arith.constant 96 : index
        %get3A_610 = tpu.vector_load %arg18[%get3A_608, %get3A_609] {strides = array<i32>} : memref<32x128xf32, #tpu.memory_space<vmem>>, vector<16xf32>,
        %add3A_611 = arith.addf %get3A_607, %get3A_610 : vector<16xf32>
        %max3A_612 = arith.constant 0.000000e+00 : f32
        %max3A_613 = vector.broadcast %max3A_612 : f32 to vector<16xf32>
        %max3A_614 = arith.maximumf %add3A_611, %max3A_613 : vector<16xf32>
        %mul3A_615 = arith.mulf %max3A_614, %get3A_30 : vector<16xf32>
        %add3A_616 = arith.addf %add3A_604, %mul3A_615 : vector<16xf32>
        %get3A_617 = arith.index_cast %add3A_531 : i32 to index
        %get3A_618 = arith.constant 112 : index
        %get3A_619 = tpu.vector_load %arg16[%get3A_617, %get3A_618] {strides = array<i32>} : memref<32x128xf32, #tpu.memory_space<vmem>>, vector<16xf32>,
        %get3A_620 = arith.index_cast %add3A_531 : i32 to index
        %get3A_621 = arith.constant 112 : index
        %get3A_622 = tpu.vector_load %arg18[%get3A_620, %get3A_621] {strides = array<i32>} : memref<32x128xf32, #tpu.memory_space<vmem>>, vector<16xf32>,
        %add3A_623 = arith.addf %get3A_619, %get3A_622 : vector<16xf32>
        %max3A_624 = arith.constant 0.000000e+00 : f32
        %max3A_625 = vector.broadcast %max3A_624 : f32 to vector<16xf32>
        %max3A_626 = arith.maximumf %add3A_623, %max3A_625 : vector<16xf32>
        %mul3A_627 = arith.mulf %max3A_626, %get3A_32 : vector<16xf32>
        %add3A_628 = arith.addf %add3A_616, %mul3A_627 : vector<16xf32>
        %swap3A_629 = arith.index_cast %scan3A_528 : i32 to index
        %swap3A_630 = arith.constant 0 : index
        %swap3A_631 = tpu.vector_load %arg22[%swap3A_629, %swap3A_630] {strides = array<i32>} : memref<16x16xf32, #tpu.memory_space<vmem>>, vector<16xf32>,
        tpu.vector_store %arg22[%swap3A_629, %swap3A_630], %add3A_628 {strides = array<i32>} : memref<16x16xf32, #tpu.memory_space<vmem>>, vector<16xf32>,
        %scan3A_632 = arith.constant 0 : i32
        scf.yield %scan3A_632 : i32
      }
      %scan3A_104 = arith.constant 16 : i32
      %broadcast_in_dim3A = arith.constant 0.000000e+00 : f32
      %broadcast_in_dim3A_105 = vector.broadcast %broadcast_in_dim3A : f32 to vector<16xf32>
      %broadcast_in_dim3A_106 = arith.constant 0 : i32
      %broadcast_in_dim3A_107 = vector.broadcast %broadcast_in_dim3A_106 : i32 to vector<16xi32>
      %gather3A = tpu.vector_load_idx %arg22[%iota3A, %broadcast_in_dim3A_107] : memref<16x16xf32, #tpu.memory_space<vmem>>[vector<16xi32>, vector<16xi32>], vector<16xf32>,
      %add3A_108 = arith.addf %broadcast_in_dim3A_105, %gather3A : vector<16xf32>
      %broadcast_in_dim3A_109 = arith.constant 1 : i32
      %broadcast_in_dim3A_110 = vector.broadcast %broadcast_in_dim3A_109 : i32 to vector<16xi32>
      %gather3A_111 = tpu.vector_load_idx %arg22[%iota3A, %broadcast_in_dim3A_110] : memref<16x16xf32, #tpu.memory_space<vmem>>[vector<16xi32>, vector<16xi32>], vector<16xf32>,
      %add3A_112 = arith.addf %add3A_108, %gather3A_111 : vector<16xf32>
      %broadcast_in_dim3A_113 = arith.constant 2 : i32
      %broadcast_in_dim3A_114 = vector.broadcast %broadcast_in_dim3A_113 : i32 to vector<16xi32>
      %gather3A_115 = tpu.vector_load_idx %arg22[%iota3A, %broadcast_in_dim3A_114] : memref<16x16xf32, #tpu.memory_space<vmem>>[vector<16xi32>, vector<16xi32>], vector<16xf32>,
      %add3A_116 = arith.addf %add3A_112, %gather3A_115 : vector<16xf32>
      %broadcast_in_dim3A_117 = arith.constant 3 : i32
      %broadcast_in_dim3A_118 = vector.broadcast %broadcast_in_dim3A_117 : i32 to vector<16xi32>
      %gather3A_119 = tpu.vector_load_idx %arg22[%iota3A, %broadcast_in_dim3A_118] : memref<16x16xf32, #tpu.memory_space<vmem>>[vector<16xi32>, vector<16xi32>], vector<16xf32>,
      %add3A_120 = arith.addf %add3A_116, %gather3A_119 : vector<16xf32>
      %broadcast_in_dim3A_121 = arith.constant 4 : i32
      %broadcast_in_dim3A_122 = vector.broadcast %broadcast_in_dim3A_121 : i32 to vector<16xi32>
      %gather3A_123 = tpu.vector_load_idx %arg22[%iota3A, %broadcast_in_dim3A_122] : memref<16x16xf32, #tpu.memory_space<vmem>>[vector<16xi32>, vector<16xi32>], vector<16xf32>,
      %add3A_124 = arith.addf %add3A_120, %gather3A_123 : vector<16xf32>
      %broadcast_in_dim3A_125 = arith.constant 5 : i32
      %broadcast_in_dim3A_126 = vector.broadcast %broadcast_in_dim3A_125 : i32 to vector<16xi32>
      %gather3A_127 = tpu.vector_load_idx %arg22[%iota3A, %broadcast_in_dim3A_126] : memref<16x16xf32, #tpu.memory_space<vmem>>[vector<16xi32>, vector<16xi32>], vector<16xf32>,
      %add3A_128 = arith.addf %add3A_124, %gather3A_127 : vector<16xf32>
      %broadcast_in_dim3A_129 = arith.constant 6 : i32
      %broadcast_in_dim3A_130 = vector.broadcast %broadcast_in_dim3A_129 : i32 to vector<16xi32>
      %gather3A_131 = tpu.vector_load_idx %arg22[%iota3A, %broadcast_in_dim3A_130] : memref<16x16xf32, #tpu.memory_space<vmem>>[vector<16xi32>, vector<16xi32>], vector<16xf32>,
      %add3A_132 = arith.addf %add3A_128, %gather3A_131 : vector<16xf32>
      %broadcast_in_dim3A_133 = arith.constant 7 : i32
      %broadcast_in_dim3A_134 = vector.broadcast %broadcast_in_dim3A_133 : i32 to vector<16xi32>
      %gather3A_135 = tpu.vector_load_idx %arg22[%iota3A, %broadcast_in_dim3A_134] : memref<16x16xf32, #tpu.memory_space<vmem>>[vector<16xi32>, vector<16xi32>], vector<16xf32>,
      %add3A_136 = arith.addf %add3A_132, %gather3A_135 : vector<16xf32>
      %broadcast_in_dim3A_137 = arith.constant 8 : i32
      %broadcast_in_dim3A_138 = vector.broadcast %broadcast_in_dim3A_137 : i32 to vector<16xi32>
      %gather3A_139 = tpu.vector_load_idx %arg22[%iota3A, %broadcast_in_dim3A_138] : memref<16x16xf32, #tpu.memory_space<vmem>>[vector<16xi32>, vector<16xi32>], vector<16xf32>,
      %add3A_140 = arith.addf %add3A_136, %gather3A_139 : vector<16xf32>
      %broadcast_in_dim3A_141 = arith.constant 9 : i32
      %broadcast_in_dim3A_142 = vector.broadcast %broadcast_in_dim3A_141 : i32 to vector<16xi32>
      %gather3A_143 = tpu.vector_load_idx %arg22[%iota3A, %broadcast_in_dim3A_142] : memref<16x16xf32, #tpu.memory_space<vmem>>[vector<16xi32>, vector<16xi32>], vector<16xf32>,
      %add3A_144 = arith.addf %add3A_140, %gather3A_143 : vector<16xf32>
      %broadcast_in_dim3A_145 = arith.constant 10 : i32
      %broadcast_in_dim3A_146 = vector.broadcast %broadcast_in_dim3A_145 : i32 to vector<16xi32>
      %gather3A_147 = tpu.vector_load_idx %arg22[%iota3A, %broadcast_in_dim3A_146] : memref<16x16xf32, #tpu.memory_space<vmem>>[vector<16xi32>, vector<16xi32>], vector<16xf32>,
      %add3A_148 = arith.addf %add3A_144, %gather3A_147 : vector<16xf32>
      %broadcast_in_dim3A_149 = arith.constant 11 : i32
      %broadcast_in_dim3A_150 = vector.broadcast %broadcast_in_dim3A_149 : i32 to vector<16xi32>
      %gather3A_151 = tpu.vector_load_idx %arg22[%iota3A, %broadcast_in_dim3A_150] : memref<16x16xf32, #tpu.memory_space<vmem>>[vector<16xi32>, vector<16xi32>], vector<16xf32>,
      %add3A_152 = arith.addf %add3A_148, %gather3A_151 : vector<16xf32>
      %broadcast_in_dim3A_153 = arith.constant 12 : i32
      %broadcast_in_dim3A_154 = vector.broadcast %broadcast_in_dim3A_153 : i32 to vector<16xi32>
      %gather3A_155 = tpu.vector_load_idx %arg22[%iota3A, %broadcast_in_dim3A_154] : memref<16x16xf32, #tpu.memory_space<vmem>>[vector<16xi32>, vector<16xi32>], vector<16xf32>,
      %add3A_156 = arith.addf %add3A_152, %gather3A_155 : vector<16xf32>
      %broadcast_in_dim3A_157 = arith.constant 13 : i32
      %broadcast_in_dim3A_158 = vector.broadcast %broadcast_in_dim3A_157 : i32 to vector<16xi32>
      %gather3A_159 = tpu.vector_load_idx %arg22[%iota3A, %broadcast_in_dim3A_158] : memref<16x16xf32, #tpu.memory_space<vmem>>[vector<16xi32>, vector<16xi32>], vector<16xf32>,
      %add3A_160 = arith.addf %add3A_156, %gather3A_159 : vector<16xf32>
      %broadcast_in_dim3A_161 = arith.constant 14 : i32
      %broadcast_in_dim3A_162 = vector.broadcast %broadcast_in_dim3A_161 : i32 to vector<16xi32>
      %gather3A_163 = tpu.vector_load_idx %arg22[%iota3A, %broadcast_in_dim3A_162] : memref<16x16xf32, #tpu.memory_space<vmem>>[vector<16xi32>, vector<16xi32>], vector<16xf32>,
      %add3A_164 = arith.addf %add3A_160, %gather3A_163 : vector<16xf32>
      %broadcast_in_dim3A_165 = arith.constant 15 : i32
      %broadcast_in_dim3A_166 = vector.broadcast %broadcast_in_dim3A_165 : i32 to vector<16xi32>
      %gather3A_167 = tpu.vector_load_idx %arg22[%iota3A, %broadcast_in_dim3A_166] : memref<16x16xf32, #tpu.memory_space<vmem>>[vector<16xi32>, vector<16xi32>], vector<16xf32>,
      %add3A_168 = arith.addf %add3A_164, %gather3A_167 : vector<16xf32>
      %add3A_169 = arith.addf %add3A_168, %get3A_34 : vector<16xf32>
      %neg3A = arith.constant 0.000000e+00 : f32
      %neg3A_170 = vector.broadcast %neg3A : f32 to vector<16xf32>
      %neg3A_171 = arith.subf %neg3A_170, %add3A_169 : vector<16xf32>
      %exp3A = math.exp %neg3A_171 : vector<16xf32>
      %add3A_172 = arith.constant 1.000000e+00 : f32
      %add3A_173 = vector.broadcast %add3A_172 : f32 to vector<16xf32>
      %add3A_174 = arith.addf %add3A_173, %exp3A : vector<16xf32>
      %div3A = arith.constant 1.000000e+00 : f32
      %div3A_175 = vector.broadcast %div3A : f32 to vector<16xf32>
      %div3A_176 = arith.divf %div3A_175, %add3A_174 : vector<16xf32>
      %add3A_177 = arith.constant 0 : i32
      %add3A_178 = arith.addi %mul3A_97, %add3A_177 : i32
      %get3A_179 = arith.index_cast %add3A_178 : i32 to index
      %get3A_180 = tpu.vector_load %arg13[%get3A_179] {strides = array<i32>} : memref<5056xf32, #tpu.memory_space<vmem>>, vector<16xf32>,
      %mul3A_181 = arith.mulf %div3A_176, %get3A_180 : vector<16xf32>
      %swap3A = arith.constant 0 : index
      %swap3A_182 = tpu.vector_load %arg21[%swap3A] {strides = array<i32>} : memref<32xf32, #tpu.memory_space<vmem>>, vector<16xf32>,
      tpu.vector_store %arg21[%swap3A], %mul3A_181 {strides = array<i32>} : memref<32xf32, #tpu.memory_space<vmem>>, vector<16xf32>,
      %scan3A_183 = arith.constant 0 : i32
      %scan3A_184 = arith.constant 0 : i32
      %scan3A_185 = arith.constant 16 : i32
      %scan3A_186 = arith.addi %scan3A_184, %scan3A_185 : i32
      %scan3A_187 = arith.constant 1 : i32
      %scan3A_188 = scf.for %scan3A_528 = %scan3A_184 to %scan3A_186 step %scan3A_187 iter_args(%scan3A_529 = %scan3A_183) -> (i32)  : i32 {
        %add3A_530 = arith.constant 16 : i32
        %add3A_531 = arith.addi %add3A_530, %scan3A_528 : i32
        %broadcast_in_dim3A_532 = arith.constant 0.000000e+00 : f32
        %broadcast_in_dim3A_533 = vector.broadcast %broadcast_in_dim3A_532 : f32 to vector<16xf32>
        %get3A_534 = arith.index_cast %add3A_531 : i32 to index
        %get3A_535 = arith.constant 0 : index
        %get3A_536 = tpu.vector_load %arg16[%get3A_534, %get3A_535] {strides = array<i32>} : memref<32x128xf32, #tpu.memory_space<vmem>>, vector<16xf32>,
        %get3A_537 = arith.index_cast %add3A_531 : i32 to index
        %get3A_538 = arith.constant 0 : index
        %get3A_539 = tpu.vector_load %arg18[%get3A_537, %get3A_538] {strides = array<i32>} : memref<32x128xf32, #tpu.memory_space<vmem>>, vector<16xf32>,
        %add3A_540 = arith.addf %get3A_536, %get3A_539 : vector<16xf32>
        %max3A = arith.constant 0.000000e+00 : f32
        %max3A_541 = vector.broadcast %max3A : f32 to vector<16xf32>
        %max3A_542 = arith.maximumf %add3A_540, %max3A_541 : vector<16xf32>
        %mul3A_543 = arith.mulf %max3A_542, %get3A_18 : vector<16xf32>
        %add3A_544 = arith.addf %broadcast_in_dim3A_533, %mul3A_543 : vector<16xf32>
        %get3A_545 = arith.index_cast %add3A_531 : i32 to index
        %get3A_546 = arith.constant 16 : index
        %get3A_547 = tpu.vector_load %arg16[%get3A_545, %get3A_546] {strides = array<i32>} : memref<32x128xf32, #tpu.memory_space<vmem>>, vector<16xf32>,
        %get3A_548 = arith.index_cast %add3A_531 : i32 to index
        %get3A_549 = arith.constant 16 : index
        %get3A_550 = tpu.vector_load %arg18[%get3A_548, %get3A_549] {strides = array<i32>} : memref<32x128xf32, #tpu.memory_space<vmem>>, vector<16xf32>,
        %add3A_551 = arith.addf %get3A_547, %get3A_550 : vector<16xf32>
        %max3A_552 = arith.constant 0.000000e+00 : f32
        %max3A_553 = vector.broadcast %max3A_552 : f32 to vector<16xf32>
        %max3A_554 = arith.maximumf %add3A_551, %max3A_553 : vector<16xf32>
        %mul3A_555 = arith.mulf %max3A_554, %get3A_20 : vector<16xf32>
        %add3A_556 = arith.addf %add3A_544, %mul3A_555 : vector<16xf32>
        %get3A_557 = arith.index_cast %add3A_531 : i32 to index
        %get3A_558 = arith.constant 32 : index
        %get3A_559 = tpu.vector_load %arg16[%get3A_557, %get3A_558] {strides = array<i32>} : memref<32x128xf32, #tpu.memory_space<vmem>>, vector<16xf32>,
        %get3A_560 = arith.index_cast %add3A_531 : i32 to index
        %get3A_561 = arith.constant 32 : index
        %get3A_562 = tpu.vector_load %arg18[%get3A_560, %get3A_561] {strides = array<i32>} : memref<32x128xf32, #tpu.memory_space<vmem>>, vector<16xf32>,
        %add3A_563 = arith.addf %get3A_559, %get3A_562 : vector<16xf32>
        %max3A_564 = arith.constant 0.000000e+00 : f32
        %max3A_565 = vector.broadcast %max3A_564 : f32 to vector<16xf32>
        %max3A_566 = arith.maximumf %add3A_563, %max3A_565 : vector<16xf32>
        %mul3A_567 = arith.mulf %max3A_566, %get3A_22 : vector<16xf32>
        %add3A_568 = arith.addf %add3A_556, %mul3A_567 : vector<16xf32>
        %get3A_569 = arith.index_cast %add3A_531 : i32 to index
        %get3A_570 = arith.constant 48 : index
        %get3A_571 = tpu.vector_load %arg16[%get3A_569, %get3A_570] {strides = array<i32>} : memref<32x128xf32, #tpu.memory_space<vmem>>, vector<16xf32>,
        %get3A_572 = arith.index_cast %add3A_531 : i32 to index
        %get3A_573 = arith.constant 48 : index
        %get3A_574 = tpu.vector_load %arg18[%get3A_572, %get3A_573] {strides = array<i32>} : memref<32x128xf32, #tpu.memory_space<vmem>>, vector<16xf32>,
        %add3A_575 = arith.addf %get3A_571, %get3A_574 : vector<16xf32>
        %max3A_576 = arith.constant 0.000000e+00 : f32
        %max3A_577 = vector.broadcast %max3A_576 : f32 to vector<16xf32>
        %max3A_578 = arith.maximumf %add3A_575, %max3A_577 : vector<16xf32>
        %mul3A_579 = arith.mulf %max3A_578, %get3A_24 : vector<16xf32>
        %add3A_580 = arith.addf %add3A_568, %mul3A_579 : vector<16xf32>
        %get3A_581 = arith.index_cast %add3A_531 : i32 to index
        %get3A_582 = arith.constant 64 : index
        %get3A_583 = tpu.vector_load %arg16[%get3A_581, %get3A_582] {strides = array<i32>} : memref<32x128xf32, #tpu.memory_space<vmem>>, vector<16xf32>,
        %get3A_584 = arith.index_cast %add3A_531 : i32 to index
        %get3A_585 = arith.constant 64 : index
        %get3A_586 = tpu.vector_load %arg18[%get3A_584, %get3A_585] {strides = array<i32>} : memref<32x128xf32, #tpu.memory_space<vmem>>, vector<16xf32>,
        %add3A_587 = arith.addf %get3A_583, %get3A_586 : vector<16xf32>
        %max3A_588 = arith.constant 0.000000e+00 : f32
        %max3A_589 = vector.broadcast %max3A_588 : f32 to vector<16xf32>
        %max3A_590 = arith.maximumf %add3A_587, %max3A_589 : vector<16xf32>
        %mul3A_591 = arith.mulf %max3A_590, %get3A_26 : vector<16xf32>
        %add3A_592 = arith.addf %add3A_580, %mul3A_591 : vector<16xf32>
        %get3A_593 = arith.index_cast %add3A_531 : i32 to index
        %get3A_594 = arith.constant 80 : index
        %get3A_595 = tpu.vector_load %arg16[%get3A_593, %get3A_594] {strides = array<i32>} : memref<32x128xf32, #tpu.memory_space<vmem>>, vector<16xf32>,
        %get3A_596 = arith.index_cast %add3A_531 : i32 to index
        %get3A_597 = arith.constant 80 : index
        %get3A_598 = tpu.vector_load %arg18[%get3A_596, %get3A_597] {strides = array<i32>} : memref<32x128xf32, #tpu.memory_space<vmem>>, vector<16xf32>,
        %add3A_599 = arith.addf %get3A_595, %get3A_598 : vector<16xf32>
        %max3A_600 = arith.constant 0.000000e+00 : f32
        %max3A_601 = vector.broadcast %max3A_600 : f32 to vector<16xf32>
        %max3A_602 = arith.maximumf %add3A_599, %max3A_601 : vector<16xf32>
        %mul3A_603 = arith.mulf %max3A_602, %get3A_28 : vector<16xf32>
        %add3A_604 = arith.addf %add3A_592, %mul3A_603 : vector<16xf32>
        %get3A_605 = arith.index_cast %add3A_531 : i32 to index
        %get3A_606 = arith.constant 96 : index
        %get3A_607 = tpu.vector_load %arg16[%get3A_605, %get3A_606] {strides = array<i32>} : memref<32x128xf32, #tpu.memory_space<vmem>>, vector<16xf32>,
        %get3A_608 = arith.index_cast %add3A_531 : i32 to index
        %get3A_609 = arith.constant 96 : index
        %get3A_610 = tpu.vector_load %arg18[%get3A_608, %get3A_609] {strides = array<i32>} : memref<32x128xf32, #tpu.memory_space<vmem>>, vector<16xf32>,
        %add3A_611 = arith.addf %get3A_607, %get3A_610 : vector<16xf32>
        %max3A_612 = arith.constant 0.000000e+00 : f32
        %max3A_613 = vector.broadcast %max3A_612 : f32 to vector<16xf32>
        %max3A_614 = arith.maximumf %add3A_611, %max3A_613 : vector<16xf32>
        %mul3A_615 = arith.mulf %max3A_614, %get3A_30 : vector<16xf32>
        %add3A_616 = arith.addf %add3A_604, %mul3A_615 : vector<16xf32>
        %get3A_617 = arith.index_cast %add3A_531 : i32 to index
        %get3A_618 = arith.constant 112 : index
        %get3A_619 = tpu.vector_load %arg16[%get3A_617, %get3A_618] {strides = array<i32>} : memref<32x128xf32, #tpu.memory_space<vmem>>, vector<16xf32>,
        %get3A_620 = arith.index_cast %add3A_531 : i32 to index
        %get3A_621 = arith.constant 112 : index
        %get3A_622 = tpu.vector_load %arg18[%get3A_620, %get3A_621] {strides = array<i32>} : memref<32x128xf32, #tpu.memory_space<vmem>>, vector<16xf32>,
        %add3A_623 = arith.addf %get3A_619, %get3A_622 : vector<16xf32>
        %max3A_624 = arith.constant 0.000000e+00 : f32
        %max3A_625 = vector.broadcast %max3A_624 : f32 to vector<16xf32>
        %max3A_626 = arith.maximumf %add3A_623, %max3A_625 : vector<16xf32>
        %mul3A_627 = arith.mulf %max3A_626, %get3A_32 : vector<16xf32>
        %add3A_628 = arith.addf %add3A_616, %mul3A_627 : vector<16xf32>
        %swap3A_629 = arith.index_cast %scan3A_528 : i32 to index
        %swap3A_630 = arith.constant 0 : index
        %swap3A_631 = tpu.vector_load %arg22[%swap3A_629, %swap3A_630] {strides = array<i32>} : memref<16x16xf32, #tpu.memory_space<vmem>>, vector<16xf32>,
        tpu.vector_store %arg22[%swap3A_629, %swap3A_630], %add3A_628 {strides = array<i32>} : memref<16x16xf32, #tpu.memory_space<vmem>>, vector<16xf32>,
        %scan3A_632 = arith.constant 0 : i32
        scf.yield %scan3A_632 : i32
      }
      %scan3A_189 = arith.constant 16 : i32
      %broadcast_in_dim3A_190 = arith.constant 0.000000e+00 : f32
      %broadcast_in_dim3A_191 = vector.broadcast %broadcast_in_dim3A_190 : f32 to vector<16xf32>
      %broadcast_in_dim3A_192 = arith.constant 0 : i32
      %broadcast_in_dim3A_193 = vector.broadcast %broadcast_in_dim3A_192 : i32 to vector<16xi32>
      %gather3A_194 = tpu.vector_load_idx %arg22[%iota3A, %broadcast_in_dim3A_193] : memref<16x16xf32, #tpu.memory_space<vmem>>[vector<16xi32>, vector<16xi32>], vector<16xf32>,
      %add3A_195 = arith.addf %broadcast_in_dim3A_191, %gather3A_194 : vector<16xf32>
      %broadcast_in_dim3A_196 = arith.constant 1 : i32
      %broadcast_in_dim3A_197 = vector.broadcast %broadcast_in_dim3A_196 : i32 to vector<16xi32>
      %gather3A_198 = tpu.vector_load_idx %arg22[%iota3A, %broadcast_in_dim3A_197] : memref<16x16xf32, #tpu.memory_space<vmem>>[vector<16xi32>, vector<16xi32>], vector<16xf32>,
      %add3A_199 = arith.addf %add3A_195, %gather3A_198 : vector<16xf32>
      %broadcast_in_dim3A_200 = arith.constant 2 : i32
      %broadcast_in_dim3A_201 = vector.broadcast %broadcast_in_dim3A_200 : i32 to vector<16xi32>
      %gather3A_202 = tpu.vector_load_idx %arg22[%iota3A, %broadcast_in_dim3A_201] : memref<16x16xf32, #tpu.memory_space<vmem>>[vector<16xi32>, vector<16xi32>], vector<16xf32>,
      %add3A_203 = arith.addf %add3A_199, %gather3A_202 : vector<16xf32>
      %broadcast_in_dim3A_204 = arith.constant 3 : i32
      %broadcast_in_dim3A_205 = vector.broadcast %broadcast_in_dim3A_204 : i32 to vector<16xi32>
      %gather3A_206 = tpu.vector_load_idx %arg22[%iota3A, %broadcast_in_dim3A_205] : memref<16x16xf32, #tpu.memory_space<vmem>>[vector<16xi32>, vector<16xi32>], vector<16xf32>,
      %add3A_207 = arith.addf %add3A_203, %gather3A_206 : vector<16xf32>
      %broadcast_in_dim3A_208 = arith.constant 4 : i32
      %broadcast_in_dim3A_209 = vector.broadcast %broadcast_in_dim3A_208 : i32 to vector<16xi32>
      %gather3A_210 = tpu.vector_load_idx %arg22[%iota3A, %broadcast_in_dim3A_209] : memref<16x16xf32, #tpu.memory_space<vmem>>[vector<16xi32>, vector<16xi32>], vector<16xf32>,
      %add3A_211 = arith.addf %add3A_207, %gather3A_210 : vector<16xf32>
      %broadcast_in_dim3A_212 = arith.constant 5 : i32
      %broadcast_in_dim3A_213 = vector.broadcast %broadcast_in_dim3A_212 : i32 to vector<16xi32>
      %gather3A_214 = tpu.vector_load_idx %arg22[%iota3A, %broadcast_in_dim3A_213] : memref<16x16xf32, #tpu.memory_space<vmem>>[vector<16xi32>, vector<16xi32>], vector<16xf32>,
      %add3A_215 = arith.addf %add3A_211, %gather3A_214 : vector<16xf32>
      %broadcast_in_dim3A_216 = arith.constant 6 : i32
      %broadcast_in_dim3A_217 = vector.broadcast %broadcast_in_dim3A_216 : i32 to vector<16xi32>
      %gather3A_218 = tpu.vector_load_idx %arg22[%iota3A, %broadcast_in_dim3A_217] : memref<16x16xf32, #tpu.memory_space<vmem>>[vector<16xi32>, vector<16xi32>], vector<16xf32>,
      %add3A_219 = arith.addf %add3A_215, %gather3A_218 : vector<16xf32>
      %broadcast_in_dim3A_220 = arith.constant 7 : i32
      %broadcast_in_dim3A_221 = vector.broadcast %broadcast_in_dim3A_220 : i32 to vector<16xi32>
      %gather3A_222 = tpu.vector_load_idx %arg22[%iota3A, %broadcast_in_dim3A_221] : memref<16x16xf32, #tpu.memory_space<vmem>>[vector<16xi32>, vector<16xi32>], vector<16xf32>,
      %add3A_223 = arith.addf %add3A_219, %gather3A_222 : vector<16xf32>
      %broadcast_in_dim3A_224 = arith.constant 8 : i32
      %broadcast_in_dim3A_225 = vector.broadcast %broadcast_in_dim3A_224 : i32 to vector<16xi32>
      %gather3A_226 = tpu.vector_load_idx %arg22[%iota3A, %broadcast_in_dim3A_225] : memref<16x16xf32, #tpu.memory_space<vmem>>[vector<16xi32>, vector<16xi32>], vector<16xf32>,
      %add3A_227 = arith.addf %add3A_223, %gather3A_226 : vector<16xf32>
      %broadcast_in_dim3A_228 = arith.constant 9 : i32
      %broadcast_in_dim3A_229 = vector.broadcast %broadcast_in_dim3A_228 : i32 to vector<16xi32>
      %gather3A_230 = tpu.vector_load_idx %arg22[%iota3A, %broadcast_in_dim3A_229] : memref<16x16xf32, #tpu.memory_space<vmem>>[vector<16xi32>, vector<16xi32>], vector<16xf32>,
      %add3A_231 = arith.addf %add3A_227, %gather3A_230 : vector<16xf32>
      %broadcast_in_dim3A_232 = arith.constant 10 : i32
      %broadcast_in_dim3A_233 = vector.broadcast %broadcast_in_dim3A_232 : i32 to vector<16xi32>
      %gather3A_234 = tpu.vector_load_idx %arg22[%iota3A, %broadcast_in_dim3A_233] : memref<16x16xf32, #tpu.memory_space<vmem>>[vector<16xi32>, vector<16xi32>], vector<16xf32>,
      %add3A_235 = arith.addf %add3A_231, %gather3A_234 : vector<16xf32>
      %broadcast_in_dim3A_236 = arith.constant 11 : i32
      %broadcast_in_dim3A_237 = vector.broadcast %broadcast_in_dim3A_236 : i32 to vector<16xi32>
      %gather3A_238 = tpu.vector_load_idx %arg22[%iota3A, %broadcast_in_dim3A_237] : memref<16x16xf32, #tpu.memory_space<vmem>>[vector<16xi32>, vector<16xi32>], vector<16xf32>,
      %add3A_239 = arith.addf %add3A_235, %gather3A_238 : vector<16xf32>
      %broadcast_in_dim3A_240 = arith.constant 12 : i32
      %broadcast_in_dim3A_241 = vector.broadcast %broadcast_in_dim3A_240 : i32 to vector<16xi32>
      %gather3A_242 = tpu.vector_load_idx %arg22[%iota3A, %broadcast_in_dim3A_241] : memref<16x16xf32, #tpu.memory_space<vmem>>[vector<16xi32>, vector<16xi32>], vector<16xf32>,
      %add3A_243 = arith.addf %add3A_239, %gather3A_242 : vector<16xf32>
      %broadcast_in_dim3A_244 = arith.constant 13 : i32
      %broadcast_in_dim3A_245 = vector.broadcast %broadcast_in_dim3A_244 : i32 to vector<16xi32>
      %gather3A_246 = tpu.vector_load_idx %arg22[%iota3A, %broadcast_in_dim3A_245] : memref<16x16xf32, #tpu.memory_space<vmem>>[vector<16xi32>, vector<16xi32>], vector<16xf32>,
      %add3A_247 = arith.addf %add3A_243, %gather3A_246 : vector<16xf32>
      %broadcast_in_dim3A_248 = arith.constant 14 : i32
      %broadcast_in_dim3A_249 = vector.broadcast %broadcast_in_dim3A_248 : i32 to vector<16xi32>
      %gather3A_250 = tpu.vector_load_idx %arg22[%iota3A, %broadcast_in_dim3A_249] : memref<16x16xf32, #tpu.memory_space<vmem>>[vector<16xi32>, vector<16xi32>], vector<16xf32>,
      %add3A_251 = arith.addf %add3A_247, %gather3A_250 : vector<16xf32>
      %broadcast_in_dim3A_252 = arith.constant 15 : i32
      %broadcast_in_dim3A_253 = vector.broadcast %broadcast_in_dim3A_252 : i32 to vector<16xi32>
      %gather3A_254 = tpu.vector_load_idx %arg22[%iota3A, %broadcast_in_dim3A_253] : memref<16x16xf32, #tpu.memory_space<vmem>>[vector<16xi32>, vector<16xi32>], vector<16xf32>,
      %add3A_255 = arith.addf %add3A_251, %gather3A_254 : vector<16xf32>
      %add3A_256 = arith.addf %add3A_255, %get3A_34 : vector<16xf32>
      %neg3A_257 = arith.constant 0.000000e+00 : f32
      %neg3A_258 = vector.broadcast %neg3A_257 : f32 to vector<16xf32>
      %neg3A_259 = arith.subf %neg3A_258, %add3A_256 : vector<16xf32>
      %exp3A_260 = math.exp %neg3A_259 : vector<16xf32>
      %add3A_261 = arith.constant 1.000000e+00 : f32
      %add3A_262 = vector.broadcast %add3A_261 : f32 to vector<16xf32>
      %add3A_263 = arith.addf %add3A_262, %exp3A_260 : vector<16xf32>
      %div3A_264 = arith.constant 1.000000e+00 : f32
      %div3A_265 = vector.broadcast %div3A_264 : f32 to vector<16xf32>
      %div3A_266 = arith.divf %div3A_265, %add3A_263 : vector<16xf32>
      %add3A_267 = arith.constant 16 : i32
      %add3A_268 = arith.addi %mul3A_97, %add3A_267 : i32
      %get3A_269 = arith.index_cast %add3A_268 : i32 to index
      %get3A_270 = tpu.vector_load %arg13[%get3A_269] {strides = array<i32>} : memref<5056xf32, #tpu.memory_space<vmem>>, vector<16xf32>,
      %mul3A_271 = arith.mulf %div3A_266, %get3A_270 : vector<16xf32>
      %swap3A_272 = arith.constant 16 : index
      %swap3A_273 = tpu.vector_load %arg21[%swap3A_272] {strides = array<i32>} : memref<32xf32, #tpu.memory_space<vmem>>, vector<16xf32>,
      tpu.vector_store %arg21[%swap3A_272], %mul3A_271 {strides = array<i32>} : memref<32xf32, #tpu.memory_space<vmem>>, vector<16xf32>,
      %scan3A_274 = arith.constant 0 : i32
      %scan3A_275 = arith.constant 0 : i32
      %scan3A_276 = arith.constant 32 : i32
      %scan3A_277 = arith.addi %scan3A_275, %scan3A_276 : i32
      %scan3A_278 = arith.constant 1 : i32
      %scan3A_279 = scf.for %scan3A_528 = %scan3A_275 to %scan3A_277 step %scan3A_278 iter_args(%scan3A_529 = %scan3A_274) -> (i32)  : i32 {
        %broadcast_in_dim3A_530 = vector.broadcast %scan3A_528 : i32 to vector<16xi32>
        %gather3A_531 = tpu.vector_load_idx %arg21[%broadcast_in_dim3A_530] : memref<32xf32, #tpu.memory_space<vmem>>[vector<16xi32>], vector<16xf32>,
        %get3A_532 = arith.index_cast %scan3A_528 : i32 to index
        %get3A_533 = arith.constant 0 : index
        %get3A_534 = tpu.vector_load %arg14[%get3A_532, %get3A_533] {strides = array<i32>} : memref<32x128xf32, #tpu.memory_space<vmem>>, vector<16xf32>,
        %mul3A_535 = arith.mulf %get3A_534, %gather3A_531 : vector<16xf32>
        %swap3A_536 = arith.index_cast %scan3A_528 : i32 to index
        %swap3A_537 = arith.constant 0 : index
        %swap3A_538 = tpu.vector_load %arg14[%swap3A_536, %swap3A_537] {strides = array<i32>} : memref<32x128xf32, #tpu.memory_space<vmem>>, vector<16xf32>,
        tpu.vector_store %arg14[%swap3A_536, %swap3A_537], %mul3A_535 {strides = array<i32>} : memref<32x128xf32, #tpu.memory_space<vmem>>, vector<16xf32>,
        %get3A_539 = arith.index_cast %scan3A_528 : i32 to index
        %get3A_540 = arith.constant 16 : index
        %get3A_541 = tpu.vector_load %arg14[%get3A_539, %get3A_540] {strides = array<i32>} : memref<32x128xf32, #tpu.memory_space<vmem>>, vector<16xf32>,
        %mul3A_542 = arith.mulf %get3A_541, %gather3A_531 : vector<16xf32>
        %swap3A_543 = arith.index_cast %scan3A_528 : i32 to index
        %swap3A_544 = arith.constant 16 : index
        %swap3A_545 = tpu.vector_load %arg14[%swap3A_543, %swap3A_544] {strides = array<i32>} : memref<32x128xf32, #tpu.memory_space<vmem>>, vector<16xf32>,
        tpu.vector_store %arg14[%swap3A_543, %swap3A_544], %mul3A_542 {strides = array<i32>} : memref<32x128xf32, #tpu.memory_space<vmem>>, vector<16xf32>,
        %get3A_546 = arith.index_cast %scan3A_528 : i32 to index
        %get3A_547 = arith.constant 32 : index
        %get3A_548 = tpu.vector_load %arg14[%get3A_546, %get3A_547] {strides = array<i32>} : memref<32x128xf32, #tpu.memory_space<vmem>>, vector<16xf32>,
        %mul3A_549 = arith.mulf %get3A_548, %gather3A_531 : vector<16xf32>
        %swap3A_550 = arith.index_cast %scan3A_528 : i32 to index
        %swap3A_551 = arith.constant 32 : index
        %swap3A_552 = tpu.vector_load %arg14[%swap3A_550, %swap3A_551] {strides = array<i32>} : memref<32x128xf32, #tpu.memory_space<vmem>>, vector<16xf32>,
        tpu.vector_store %arg14[%swap3A_550, %swap3A_551], %mul3A_549 {strides = array<i32>} : memref<32x128xf32, #tpu.memory_space<vmem>>, vector<16xf32>,
        %get3A_553 = arith.index_cast %scan3A_528 : i32 to index
        %get3A_554 = arith.constant 48 : index
        %get3A_555 = tpu.vector_load %arg14[%get3A_553, %get3A_554] {strides = array<i32>} : memref<32x128xf32, #tpu.memory_space<vmem>>, vector<16xf32>,
        %mul3A_556 = arith.mulf %get3A_555, %gather3A_531 : vector<16xf32>
        %swap3A_557 = arith.index_cast %scan3A_528 : i32 to index
        %swap3A_558 = arith.constant 48 : index
        %swap3A_559 = tpu.vector_load %arg14[%swap3A_557, %swap3A_558] {strides = array<i32>} : memref<32x128xf32, #tpu.memory_space<vmem>>, vector<16xf32>,
        tpu.vector_store %arg14[%swap3A_557, %swap3A_558], %mul3A_556 {strides = array<i32>} : memref<32x128xf32, #tpu.memory_space<vmem>>, vector<16xf32>,
        %get3A_560 = arith.index_cast %scan3A_528 : i32 to index
        %get3A_561 = arith.constant 64 : index
        %get3A_562 = tpu.vector_load %arg14[%get3A_560, %get3A_561] {strides = array<i32>} : memref<32x128xf32, #tpu.memory_space<vmem>>, vector<16xf32>,
        %mul3A_563 = arith.mulf %get3A_562, %gather3A_531 : vector<16xf32>
        %swap3A_564 = arith.index_cast %scan3A_528 : i32 to index
        %swap3A_565 = arith.constant 64 : index
        %swap3A_566 = tpu.vector_load %arg14[%swap3A_564, %swap3A_565] {strides = array<i32>} : memref<32x128xf32, #tpu.memory_space<vmem>>, vector<16xf32>,
        tpu.vector_store %arg14[%swap3A_564, %swap3A_565], %mul3A_563 {strides = array<i32>} : memref<32x128xf32, #tpu.memory_space<vmem>>, vector<16xf32>,
        %get3A_567 = arith.index_cast %scan3A_528 : i32 to index
        %get3A_568 = arith.constant 80 : index
        %get3A_569 = tpu.vector_load %arg14[%get3A_567, %get3A_568] {strides = array<i32>} : memref<32x128xf32, #tpu.memory_space<vmem>>, vector<16xf32>,
        %mul3A_570 = arith.mulf %get3A_569, %gather3A_531 : vector<16xf32>
        %swap3A_571 = arith.index_cast %scan3A_528 : i32 to index
        %swap3A_572 = arith.constant 80 : index
        %swap3A_573 = tpu.vector_load %arg14[%swap3A_571, %swap3A_572] {strides = array<i32>} : memref<32x128xf32, #tpu.memory_space<vmem>>, vector<16xf32>,
        tpu.vector_store %arg14[%swap3A_571, %swap3A_572], %mul3A_570 {strides = array<i32>} : memref<32x128xf32, #tpu.memory_space<vmem>>, vector<16xf32>,
        %get3A_574 = arith.index_cast %scan3A_528 : i32 to index
        %get3A_575 = arith.constant 96 : index
        %get3A_576 = tpu.vector_load %arg14[%get3A_574, %get3A_575] {strides = array<i32>} : memref<32x128xf32, #tpu.memory_space<vmem>>, vector<16xf32>,
        %mul3A_577 = arith.mulf %get3A_576, %gather3A_531 : vector<16xf32>
        %swap3A_578 = arith.index_cast %scan3A_528 : i32 to index
        %swap3A_579 = arith.constant 96 : index
        %swap3A_580 = tpu.vector_load %arg14[%swap3A_578, %swap3A_579] {strides = array<i32>} : memref<32x128xf32, #tpu.memory_space<vmem>>, vector<16xf32>,
        tpu.vector_store %arg14[%swap3A_578, %swap3A_579], %mul3A_577 {strides = array<i32>} : memref<32x128xf32, #tpu.memory_space<vmem>>, vector<16xf32>,
        %get3A_581 = arith.index_cast %scan3A_528 : i32 to index
        %get3A_582 = arith.constant 112 : index
        %get3A_583 = tpu.vector_load %arg14[%get3A_581, %get3A_582] {strides = array<i32>} : memref<32x128xf32, #tpu.memory_space<vmem>>, vector<16xf32>,
        %mul3A_584 = arith.mulf %get3A_583, %gather3A_531 : vector<16xf32>
        %swap3A_585 = arith.index_cast %scan3A_528 : i32 to index
        %swap3A_586 = arith.constant 112 : index
        %swap3A_587 = tpu.vector_load %arg14[%swap3A_585, %swap3A_586] {strides = array<i32>} : memref<32x128xf32, #tpu.memory_space<vmem>>, vector<16xf32>,
        tpu.vector_store %arg14[%swap3A_585, %swap3A_586], %mul3A_584 {strides = array<i32>} : memref<32x128xf32, #tpu.memory_space<vmem>>, vector<16xf32>,
        %scan3A_588 = arith.constant 0 : i32
        scf.yield %scan3A_588 : i32
      }
      %scan3A_280 = arith.constant 32 : i32
      %add3A_281 = arith.constant 0 : i32
      %add3A_282 = arith.addi %mul3A_97, %add3A_281 : i32
      %get3A_283 = arith.index_cast %add3A_282 : i32 to index
      %get3A_284 = tpu.vector_load %arg12[%get3A_283] {strides = array<i32>} : memref<5056xi32, #tpu.memory_space<vmem>>, vector<16xi32>,
      %swap3A_285 = arith.constant 0 : index
      %swap3A_286 = tpu.vector_load %arg20[%swap3A_285] {strides = array<i32>} : memref<32xi32, #tpu.memory_space<vmem>>, vector<16xi32>,
      tpu.vector_store %arg20[%swap3A_285], %get3A_284 {strides = array<i32>} : memref<32xi32, #tpu.memory_space<vmem>>, vector<16xi32>,
      %add3A_287 = arith.constant 16 : i32
      %add3A_288 = arith.addi %mul3A_97, %add3A_287 : i32
      %get3A_289 = arith.index_cast %add3A_288 : i32 to index
      %get3A_290 = tpu.vector_load %arg12[%get3A_289] {strides = array<i32>} : memref<5056xi32, #tpu.memory_space<vmem>>, vector<16xi32>,
      %swap3A_291 = arith.constant 16 : index
      %swap3A_292 = tpu.vector_load %arg20[%swap3A_291] {strides = array<i32>} : memref<32xi32, #tpu.memory_space<vmem>>, vector<16xi32>,
      tpu.vector_store %arg20[%swap3A_291], %get3A_290 {strides = array<i32>} : memref<32xi32, #tpu.memory_space<vmem>>, vector<16xi32>,
      "tpu.region"() ({
        %run_scoped3A = tpu.sem_alloc : memref<!tpu.dma_semaphore, #tpu.memory_space<semaphore_mem>>
        %dma_start3A_528 = arith.constant 0 : i32
        %dma_start3A_529 = arith.constant 0 : i32
        %dma_start3A_530 = tpu.memref_slice %arg26[%dma_start3A_528, %dma_start3A_529] : memref<10000x128xf32, #tpu.memory_space<vmem_shared>> -> memref<10000x128xf32, #tpu.memory_space<vmem_shared>>
        tpu.enqueue_indirect_dma source(%arg14 : memref<32x128xf32, #tpu.memory_space<vmem>>) target(%dma_start3A_530 : memref<10000x128xf32, #tpu.memory_space<vmem_shared>>) offsets(%arg20 : memref<32xi32, #tpu.memory_space<vmem>>) semaphore(%run_scoped3A : memref<!tpu.dma_semaphore, #tpu.memory_space<semaphore_mem>>) {add = true}
        %dma_wait3A_531 = arith.constant 0 : i32
        %dma_wait3A_532 = arith.constant 0 : i32
        %dma_wait3A_533 = tpu.memref_slice %arg26[%dma_wait3A_531, %dma_wait3A_532] : memref<10000x128xf32, #tpu.memory_space<vmem_shared>> -> memref<10000x128xf32, #tpu.memory_space<vmem_shared>>
        tpu.wait_indirect_dma semaphore(%run_scoped3A : memref<!tpu.dma_semaphore, #tpu.memory_space<semaphore_mem>>) src(%arg14 : memref<32x128xf32, #tpu.memory_space<vmem>>) dst(%dma_wait3A_533 : memref<10000x128xf32, #tpu.memory_space<vmem_shared>>)
        tpu.yield
      }) : () -> ()
      %add3A_293 = arith.constant 2 : i32
      %add3A_294 = arith.addi %mul3A_82, %add3A_293 : i32
      %lt3A = arith.constant 158 : i32
      %lt3A_295 = arith.cmpi slt, %add3A_294, %lt3A : i32
      %convert_element_type3A_296 = arith.extui %lt3A_295 : i1 to i32
      %cond3A_297 = arith.constant 0 : i32
      %cond3A_298 = arith.cmpi ne, %convert_element_type3A_296, %cond3A_297 : i32
      scf.if %cond3A_298 {
        %add3A_528 = arith.constant 2 : i32
        %add3A_529 = arith.addi %mul3A_82, %add3A_528 : i32
        %mul3A_530 = arith.constant 32 : i32
        %mul3A_531 = arith.muli %add3A_529, %mul3A_530 : i32
        %dma_start3A_532 = tpu.memref_slice %arg11[%mul3A_531] : memref<5056xi32, #tpu.memory_space<vmem>> -> memref<32xi32, #tpu.memory_space<vmem>>
        %dma_start3A_533 = arith.constant 0 : i32
        %dma_start3A_534 = arith.constant 0 : i32
        %dma_start3A_535 = tpu.memref_slice %arg2[%dma_start3A_533, %dma_start3A_534] : memref<80000x128xf32, #tpu.memory_space<hbm>> -> memref<80000x128xf32, #tpu.memory_space<hbm>>
        tpu.enqueue_indirect_dma source(%dma_start3A_535 : memref<80000x128xf32, #tpu.memory_space<hbm>>) target(%arg14 : memref<32x128xf32, #tpu.memory_space<vmem>>) offsets(%dma_start3A_532 : memref<32xi32, #tpu.memory_space<vmem>>) semaphore(%arg27 : memref<!tpu.dma_semaphore, #tpu.memory_space<semaphore_mem>>)
        %dma_start3A_536 = tpu.memref_slice %arg11[%mul3A_531] : memref<5056xi32, #tpu.memory_space<vmem>> -> memref<32xi32, #tpu.memory_space<vmem>>
        %dma_start3A_537 = arith.constant 0 : i32
        %dma_start3A_538 = arith.constant 0 : i32
        %dma_start3A_539 = tpu.memref_slice %arg3[%dma_start3A_537, %dma_start3A_538] : memref<80000x128xf32, #tpu.memory_space<hbm>> -> memref<80000x128xf32, #tpu.memory_space<hbm>>
        tpu.enqueue_indirect_dma source(%dma_start3A_539 : memref<80000x128xf32, #tpu.memory_space<hbm>>) target(%arg16 : memref<32x128xf32, #tpu.memory_space<vmem>>) offsets(%dma_start3A_536 : memref<32xi32, #tpu.memory_space<vmem>>) semaphore(%arg28 : memref<!tpu.dma_semaphore, #tpu.memory_space<semaphore_mem>>)
        %dma_start3A_540 = tpu.memref_slice %arg12[%mul3A_531] : memref<5056xi32, #tpu.memory_space<vmem>> -> memref<32xi32, #tpu.memory_space<vmem>>
        %dma_start3A_541 = arith.constant 0 : i32
        %dma_start3A_542 = arith.constant 0 : i32
        %dma_start3A_543 = tpu.memref_slice %arg4[%dma_start3A_541, %dma_start3A_542] : memref<10000x128xf32, #tpu.memory_space<hbm>> -> memref<10000x128xf32, #tpu.memory_space<hbm>>
        tpu.enqueue_indirect_dma source(%dma_start3A_543 : memref<10000x128xf32, #tpu.memory_space<hbm>>) target(%arg18 : memref<32x128xf32, #tpu.memory_space<vmem>>) offsets(%dma_start3A_540 : memref<32xi32, #tpu.memory_space<vmem>>) semaphore(%arg29 : memref<!tpu.dma_semaphore, #tpu.memory_space<semaphore_mem>>)
      } else {
      }
      %mul3A_299 = arith.constant 2 : i32
      %mul3A_300 = arith.muli %mul3A_299, %scan3A_79 : i32
      %add3A_301 = arith.constant 1 : i32
      %add3A_302 = arith.addi %mul3A_300, %add3A_301 : i32
      %mul3A_303 = arith.constant 32 : i32
      %mul3A_304 = arith.muli %add3A_302, %mul3A_303 : i32
      %dma_wait3A_305 = tpu.memref_slice %arg11[%mul3A_304] : memref<5056xi32, #tpu.memory_space<vmem>> -> memref<32xi32, #tpu.memory_space<vmem>>
      %dma_wait3A_306 = arith.constant 0 : i32
      %dma_wait3A_307 = arith.constant 0 : i32
      %dma_wait3A_308 = tpu.memref_slice %arg2[%dma_wait3A_306, %dma_wait3A_307] : memref<80000x128xf32, #tpu.memory_space<hbm>> -> memref<80000x128xf32, #tpu.memory_space<hbm>>
      tpu.wait_indirect_dma semaphore(%arg30 : memref<!tpu.dma_semaphore, #tpu.memory_space<semaphore_mem>>) src(%dma_wait3A_308 : memref<80000x128xf32, #tpu.memory_space<hbm>>) dst(%arg15 : memref<32x128xf32, #tpu.memory_space<vmem>>)
      %dma_wait3A_309 = tpu.memref_slice %arg11[%mul3A_304] : memref<5056xi32, #tpu.memory_space<vmem>> -> memref<32xi32, #tpu.memory_space<vmem>>
      %dma_wait3A_310 = arith.constant 0 : i32
      %dma_wait3A_311 = arith.constant 0 : i32
      %dma_wait3A_312 = tpu.memref_slice %arg3[%dma_wait3A_310, %dma_wait3A_311] : memref<80000x128xf32, #tpu.memory_space<hbm>> -> memref<80000x128xf32, #tpu.memory_space<hbm>>
      tpu.wait_indirect_dma semaphore(%arg31 : memref<!tpu.dma_semaphore, #tpu.memory_space<semaphore_mem>>) src(%dma_wait3A_312 : memref<80000x128xf32, #tpu.memory_space<hbm>>) dst(%arg17 : memref<32x128xf32, #tpu.memory_space<vmem>>)
      %dma_wait3A_313 = tpu.memref_slice %arg12[%mul3A_304] : memref<5056xi32, #tpu.memory_space<vmem>> -> memref<32xi32, #tpu.memory_space<vmem>>
      %dma_wait3A_314 = arith.constant 0 : i32
      %dma_wait3A_315 = arith.constant 0 : i32
      %dma_wait3A_316 = tpu.memref_slice %arg4[%dma_wait3A_314, %dma_wait3A_315] : memref<10000x128xf32, #tpu.memory_space<hbm>> -> memref<10000x128xf32, #tpu.memory_space<hbm>>
      tpu.wait_indirect_dma semaphore(%arg32 : memref<!tpu.dma_semaphore, #tpu.memory_space<semaphore_mem>>) src(%dma_wait3A_316 : memref<10000x128xf32, #tpu.memory_space<hbm>>) dst(%arg19 : memref<32x128xf32, #tpu.memory_space<vmem>>)
      %mul3A_317 = arith.constant 32 : i32
      %mul3A_318 = arith.muli %add3A_302, %mul3A_317 : i32
      %scan3A_319 = arith.constant 0 : i32
      %scan3A_320 = arith.constant 0 : i32
      %scan3A_321 = arith.constant 16 : i32
      %scan3A_322 = arith.addi %scan3A_320, %scan3A_321 : i32
      %scan3A_323 = arith.constant 1 : i32
      %scan3A_324 = scf.for %scan3A_528 = %scan3A_320 to %scan3A_322 step %scan3A_323 iter_args(%scan3A_529 = %scan3A_319) -> (i32)  : i32 {
        %add3A_530 = arith.constant 0 : i32
        %add3A_531 = arith.addi %add3A_530, %scan3A_528 : i32
        %broadcast_in_dim3A_532 = arith.constant 0.000000e+00 : f32
        %broadcast_in_dim3A_533 = vector.broadcast %broadcast_in_dim3A_532 : f32 to vector<16xf32>
        %get3A_534 = arith.index_cast %add3A_531 : i32 to index
        %get3A_535 = arith.constant 0 : index
        %get3A_536 = tpu.vector_load %arg17[%get3A_534, %get3A_535] {strides = array<i32>} : memref<32x128xf32, #tpu.memory_space<vmem>>, vector<16xf32>,
        %get3A_537 = arith.index_cast %add3A_531 : i32 to index
        %get3A_538 = arith.constant 0 : index
        %get3A_539 = tpu.vector_load %arg19[%get3A_537, %get3A_538] {strides = array<i32>} : memref<32x128xf32, #tpu.memory_space<vmem>>, vector<16xf32>,
        %add3A_540 = arith.addf %get3A_536, %get3A_539 : vector<16xf32>
        %max3A = arith.constant 0.000000e+00 : f32
        %max3A_541 = vector.broadcast %max3A : f32 to vector<16xf32>
        %max3A_542 = arith.maximumf %add3A_540, %max3A_541 : vector<16xf32>
        %mul3A_543 = arith.mulf %max3A_542, %get3A_18 : vector<16xf32>
        %add3A_544 = arith.addf %broadcast_in_dim3A_533, %mul3A_543 : vector<16xf32>
        %get3A_545 = arith.index_cast %add3A_531 : i32 to index
        %get3A_546 = arith.constant 16 : index
        %get3A_547 = tpu.vector_load %arg17[%get3A_545, %get3A_546] {strides = array<i32>} : memref<32x128xf32, #tpu.memory_space<vmem>>, vector<16xf32>,
        %get3A_548 = arith.index_cast %add3A_531 : i32 to index
        %get3A_549 = arith.constant 16 : index
        %get3A_550 = tpu.vector_load %arg19[%get3A_548, %get3A_549] {strides = array<i32>} : memref<32x128xf32, #tpu.memory_space<vmem>>, vector<16xf32>,
        %add3A_551 = arith.addf %get3A_547, %get3A_550 : vector<16xf32>
        %max3A_552 = arith.constant 0.000000e+00 : f32
        %max3A_553 = vector.broadcast %max3A_552 : f32 to vector<16xf32>
        %max3A_554 = arith.maximumf %add3A_551, %max3A_553 : vector<16xf32>
        %mul3A_555 = arith.mulf %max3A_554, %get3A_20 : vector<16xf32>
        %add3A_556 = arith.addf %add3A_544, %mul3A_555 : vector<16xf32>
        %get3A_557 = arith.index_cast %add3A_531 : i32 to index
        %get3A_558 = arith.constant 32 : index
        %get3A_559 = tpu.vector_load %arg17[%get3A_557, %get3A_558] {strides = array<i32>} : memref<32x128xf32, #tpu.memory_space<vmem>>, vector<16xf32>,
        %get3A_560 = arith.index_cast %add3A_531 : i32 to index
        %get3A_561 = arith.constant 32 : index
        %get3A_562 = tpu.vector_load %arg19[%get3A_560, %get3A_561] {strides = array<i32>} : memref<32x128xf32, #tpu.memory_space<vmem>>, vector<16xf32>,
        %add3A_563 = arith.addf %get3A_559, %get3A_562 : vector<16xf32>
        %max3A_564 = arith.constant 0.000000e+00 : f32
        %max3A_565 = vector.broadcast %max3A_564 : f32 to vector<16xf32>
        %max3A_566 = arith.maximumf %add3A_563, %max3A_565 : vector<16xf32>
        %mul3A_567 = arith.mulf %max3A_566, %get3A_22 : vector<16xf32>
        %add3A_568 = arith.addf %add3A_556, %mul3A_567 : vector<16xf32>
        %get3A_569 = arith.index_cast %add3A_531 : i32 to index
        %get3A_570 = arith.constant 48 : index
        %get3A_571 = tpu.vector_load %arg17[%get3A_569, %get3A_570] {strides = array<i32>} : memref<32x128xf32, #tpu.memory_space<vmem>>, vector<16xf32>,
        %get3A_572 = arith.index_cast %add3A_531 : i32 to index
        %get3A_573 = arith.constant 48 : index
        %get3A_574 = tpu.vector_load %arg19[%get3A_572, %get3A_573] {strides = array<i32>} : memref<32x128xf32, #tpu.memory_space<vmem>>, vector<16xf32>,
        %add3A_575 = arith.addf %get3A_571, %get3A_574 : vector<16xf32>
        %max3A_576 = arith.constant 0.000000e+00 : f32
        %max3A_577 = vector.broadcast %max3A_576 : f32 to vector<16xf32>
        %max3A_578 = arith.maximumf %add3A_575, %max3A_577 : vector<16xf32>
        %mul3A_579 = arith.mulf %max3A_578, %get3A_24 : vector<16xf32>
        %add3A_580 = arith.addf %add3A_568, %mul3A_579 : vector<16xf32>
        %get3A_581 = arith.index_cast %add3A_531 : i32 to index
        %get3A_582 = arith.constant 64 : index
        %get3A_583 = tpu.vector_load %arg17[%get3A_581, %get3A_582] {strides = array<i32>} : memref<32x128xf32, #tpu.memory_space<vmem>>, vector<16xf32>,
        %get3A_584 = arith.index_cast %add3A_531 : i32 to index
        %get3A_585 = arith.constant 64 : index
        %get3A_586 = tpu.vector_load %arg19[%get3A_584, %get3A_585] {strides = array<i32>} : memref<32x128xf32, #tpu.memory_space<vmem>>, vector<16xf32>,
        %add3A_587 = arith.addf %get3A_583, %get3A_586 : vector<16xf32>
        %max3A_588 = arith.constant 0.000000e+00 : f32
        %max3A_589 = vector.broadcast %max3A_588 : f32 to vector<16xf32>
        %max3A_590 = arith.maximumf %add3A_587, %max3A_589 : vector<16xf32>
        %mul3A_591 = arith.mulf %max3A_590, %get3A_26 : vector<16xf32>
        %add3A_592 = arith.addf %add3A_580, %mul3A_591 : vector<16xf32>
        %get3A_593 = arith.index_cast %add3A_531 : i32 to index
        %get3A_594 = arith.constant 80 : index
        %get3A_595 = tpu.vector_load %arg17[%get3A_593, %get3A_594] {strides = array<i32>} : memref<32x128xf32, #tpu.memory_space<vmem>>, vector<16xf32>,
        %get3A_596 = arith.index_cast %add3A_531 : i32 to index
        %get3A_597 = arith.constant 80 : index
        %get3A_598 = tpu.vector_load %arg19[%get3A_596, %get3A_597] {strides = array<i32>} : memref<32x128xf32, #tpu.memory_space<vmem>>, vector<16xf32>,
        %add3A_599 = arith.addf %get3A_595, %get3A_598 : vector<16xf32>
        %max3A_600 = arith.constant 0.000000e+00 : f32
        %max3A_601 = vector.broadcast %max3A_600 : f32 to vector<16xf32>
        %max3A_602 = arith.maximumf %add3A_599, %max3A_601 : vector<16xf32>
        %mul3A_603 = arith.mulf %max3A_602, %get3A_28 : vector<16xf32>
        %add3A_604 = arith.addf %add3A_592, %mul3A_603 : vector<16xf32>
        %get3A_605 = arith.index_cast %add3A_531 : i32 to index
        %get3A_606 = arith.constant 96 : index
        %get3A_607 = tpu.vector_load %arg17[%get3A_605, %get3A_606] {strides = array<i32>} : memref<32x128xf32, #tpu.memory_space<vmem>>, vector<16xf32>,
        %get3A_608 = arith.index_cast %add3A_531 : i32 to index
        %get3A_609 = arith.constant 96 : index
        %get3A_610 = tpu.vector_load %arg19[%get3A_608, %get3A_609] {strides = array<i32>} : memref<32x128xf32, #tpu.memory_space<vmem>>, vector<16xf32>,
        %add3A_611 = arith.addf %get3A_607, %get3A_610 : vector<16xf32>
        %max3A_612 = arith.constant 0.000000e+00 : f32
        %max3A_613 = vector.broadcast %max3A_612 : f32 to vector<16xf32>
        %max3A_614 = arith.maximumf %add3A_611, %max3A_613 : vector<16xf32>
        %mul3A_615 = arith.mulf %max3A_614, %get3A_30 : vector<16xf32>
        %add3A_616 = arith.addf %add3A_604, %mul3A_615 : vector<16xf32>
        %get3A_617 = arith.index_cast %add3A_531 : i32 to index
        %get3A_618 = arith.constant 112 : index
        %get3A_619 = tpu.vector_load %arg17[%get3A_617, %get3A_618] {strides = array<i32>} : memref<32x128xf32, #tpu.memory_space<vmem>>, vector<16xf32>,
        %get3A_620 = arith.index_cast %add3A_531 : i32 to index
        %get3A_621 = arith.constant 112 : index
        %get3A_622 = tpu.vector_load %arg19[%get3A_620, %get3A_621] {strides = array<i32>} : memref<32x128xf32, #tpu.memory_space<vmem>>, vector<16xf32>,
        %add3A_623 = arith.addf %get3A_619, %get3A_622 : vector<16xf32>
        %max3A_624 = arith.constant 0.000000e+00 : f32
        %max3A_625 = vector.broadcast %max3A_624 : f32 to vector<16xf32>
        %max3A_626 = arith.maximumf %add3A_623, %max3A_625 : vector<16xf32>
        %mul3A_627 = arith.mulf %max3A_626, %get3A_32 : vector<16xf32>
        %add3A_628 = arith.addf %add3A_616, %mul3A_627 : vector<16xf32>
        %swap3A_629 = arith.index_cast %scan3A_528 : i32 to index
        %swap3A_630 = arith.constant 0 : index
        %swap3A_631 = tpu.vector_load %arg22[%swap3A_629, %swap3A_630] {strides = array<i32>} : memref<16x16xf32, #tpu.memory_space<vmem>>, vector<16xf32>,
        tpu.vector_store %arg22[%swap3A_629, %swap3A_630], %add3A_628 {strides = array<i32>} : memref<16x16xf32, #tpu.memory_space<vmem>>, vector<16xf32>,
        %scan3A_632 = arith.constant 0 : i32
        scf.yield %scan3A_632 : i32
      }
      %scan3A_325 = arith.constant 16 : i32
      %broadcast_in_dim3A_326 = arith.constant 0.000000e+00 : f32
      %broadcast_in_dim3A_327 = vector.broadcast %broadcast_in_dim3A_326 : f32 to vector<16xf32>
      %broadcast_in_dim3A_328 = arith.constant 0 : i32
      %broadcast_in_dim3A_329 = vector.broadcast %broadcast_in_dim3A_328 : i32 to vector<16xi32>
      %gather3A_330 = tpu.vector_load_idx %arg22[%iota3A, %broadcast_in_dim3A_329] : memref<16x16xf32, #tpu.memory_space<vmem>>[vector<16xi32>, vector<16xi32>], vector<16xf32>,
      %add3A_331 = arith.addf %broadcast_in_dim3A_327, %gather3A_330 : vector<16xf32>
      %broadcast_in_dim3A_332 = arith.constant 1 : i32
      %broadcast_in_dim3A_333 = vector.broadcast %broadcast_in_dim3A_332 : i32 to vector<16xi32>
      %gather3A_334 = tpu.vector_load_idx %arg22[%iota3A, %broadcast_in_dim3A_333] : memref<16x16xf32, #tpu.memory_space<vmem>>[vector<16xi32>, vector<16xi32>], vector<16xf32>,
      %add3A_335 = arith.addf %add3A_331, %gather3A_334 : vector<16xf32>
      %broadcast_in_dim3A_336 = arith.constant 2 : i32
      %broadcast_in_dim3A_337 = vector.broadcast %broadcast_in_dim3A_336 : i32 to vector<16xi32>
      %gather3A_338 = tpu.vector_load_idx %arg22[%iota3A, %broadcast_in_dim3A_337] : memref<16x16xf32, #tpu.memory_space<vmem>>[vector<16xi32>, vector<16xi32>], vector<16xf32>,
      %add3A_339 = arith.addf %add3A_335, %gather3A_338 : vector<16xf32>
      %broadcast_in_dim3A_340 = arith.constant 3 : i32
      %broadcast_in_dim3A_341 = vector.broadcast %broadcast_in_dim3A_340 : i32 to vector<16xi32>
      %gather3A_342 = tpu.vector_load_idx %arg22[%iota3A, %broadcast_in_dim3A_341] : memref<16x16xf32, #tpu.memory_space<vmem>>[vector<16xi32>, vector<16xi32>], vector<16xf32>,
      %add3A_343 = arith.addf %add3A_339, %gather3A_342 : vector<16xf32>
      %broadcast_in_dim3A_344 = arith.constant 4 : i32
      %broadcast_in_dim3A_345 = vector.broadcast %broadcast_in_dim3A_344 : i32 to vector<16xi32>
      %gather3A_346 = tpu.vector_load_idx %arg22[%iota3A, %broadcast_in_dim3A_345] : memref<16x16xf32, #tpu.memory_space<vmem>>[vector<16xi32>, vector<16xi32>], vector<16xf32>,
      %add3A_347 = arith.addf %add3A_343, %gather3A_346 : vector<16xf32>
      %broadcast_in_dim3A_348 = arith.constant 5 : i32
      %broadcast_in_dim3A_349 = vector.broadcast %broadcast_in_dim3A_348 : i32 to vector<16xi32>
      %gather3A_350 = tpu.vector_load_idx %arg22[%iota3A, %broadcast_in_dim3A_349] : memref<16x16xf32, #tpu.memory_space<vmem>>[vector<16xi32>, vector<16xi32>], vector<16xf32>,
      %add3A_351 = arith.addf %add3A_347, %gather3A_350 : vector<16xf32>
      %broadcast_in_dim3A_352 = arith.constant 6 : i32
      %broadcast_in_dim3A_353 = vector.broadcast %broadcast_in_dim3A_352 : i32 to vector<16xi32>
      %gather3A_354 = tpu.vector_load_idx %arg22[%iota3A, %broadcast_in_dim3A_353] : memref<16x16xf32, #tpu.memory_space<vmem>>[vector<16xi32>, vector<16xi32>], vector<16xf32>,
      %add3A_355 = arith.addf %add3A_351, %gather3A_354 : vector<16xf32>
      %broadcast_in_dim3A_356 = arith.constant 7 : i32
      %broadcast_in_dim3A_357 = vector.broadcast %broadcast_in_dim3A_356 : i32 to vector<16xi32>
      %gather3A_358 = tpu.vector_load_idx %arg22[%iota3A, %broadcast_in_dim3A_357] : memref<16x16xf32, #tpu.memory_space<vmem>>[vector<16xi32>, vector<16xi32>], vector<16xf32>,
      %add3A_359 = arith.addf %add3A_355, %gather3A_358 : vector<16xf32>
      %broadcast_in_dim3A_360 = arith.constant 8 : i32
      %broadcast_in_dim3A_361 = vector.broadcast %broadcast_in_dim3A_360 : i32 to vector<16xi32>
      %gather3A_362 = tpu.vector_load_idx %arg22[%iota3A, %broadcast_in_dim3A_361] : memref<16x16xf32, #tpu.memory_space<vmem>>[vector<16xi32>, vector<16xi32>], vector<16xf32>,
      %add3A_363 = arith.addf %add3A_359, %gather3A_362 : vector<16xf32>
      %broadcast_in_dim3A_364 = arith.constant 9 : i32
      %broadcast_in_dim3A_365 = vector.broadcast %broadcast_in_dim3A_364 : i32 to vector<16xi32>
      %gather3A_366 = tpu.vector_load_idx %arg22[%iota3A, %broadcast_in_dim3A_365] : memref<16x16xf32, #tpu.memory_space<vmem>>[vector<16xi32>, vector<16xi32>], vector<16xf32>,
      %add3A_367 = arith.addf %add3A_363, %gather3A_366 : vector<16xf32>
      %broadcast_in_dim3A_368 = arith.constant 10 : i32
      %broadcast_in_dim3A_369 = vector.broadcast %broadcast_in_dim3A_368 : i32 to vector<16xi32>
      %gather3A_370 = tpu.vector_load_idx %arg22[%iota3A, %broadcast_in_dim3A_369] : memref<16x16xf32, #tpu.memory_space<vmem>>[vector<16xi32>, vector<16xi32>], vector<16xf32>,
      %add3A_371 = arith.addf %add3A_367, %gather3A_370 : vector<16xf32>
      %broadcast_in_dim3A_372 = arith.constant 11 : i32
      %broadcast_in_dim3A_373 = vector.broadcast %broadcast_in_dim3A_372 : i32 to vector<16xi32>
      %gather3A_374 = tpu.vector_load_idx %arg22[%iota3A, %broadcast_in_dim3A_373] : memref<16x16xf32, #tpu.memory_space<vmem>>[vector<16xi32>, vector<16xi32>], vector<16xf32>,
      %add3A_375 = arith.addf %add3A_371, %gather3A_374 : vector<16xf32>
      %broadcast_in_dim3A_376 = arith.constant 12 : i32
      %broadcast_in_dim3A_377 = vector.broadcast %broadcast_in_dim3A_376 : i32 to vector<16xi32>
      %gather3A_378 = tpu.vector_load_idx %arg22[%iota3A, %broadcast_in_dim3A_377] : memref<16x16xf32, #tpu.memory_space<vmem>>[vector<16xi32>, vector<16xi32>], vector<16xf32>,
      %add3A_379 = arith.addf %add3A_375, %gather3A_378 : vector<16xf32>
      %broadcast_in_dim3A_380 = arith.constant 13 : i32
      %broadcast_in_dim3A_381 = vector.broadcast %broadcast_in_dim3A_380 : i32 to vector<16xi32>
      %gather3A_382 = tpu.vector_load_idx %arg22[%iota3A, %broadcast_in_dim3A_381] : memref<16x16xf32, #tpu.memory_space<vmem>>[vector<16xi32>, vector<16xi32>], vector<16xf32>,
      %add3A_383 = arith.addf %add3A_379, %gather3A_382 : vector<16xf32>
      %broadcast_in_dim3A_384 = arith.constant 14 : i32
      %broadcast_in_dim3A_385 = vector.broadcast %broadcast_in_dim3A_384 : i32 to vector<16xi32>
      %gather3A_386 = tpu.vector_load_idx %arg22[%iota3A, %broadcast_in_dim3A_385] : memref<16x16xf32, #tpu.memory_space<vmem>>[vector<16xi32>, vector<16xi32>], vector<16xf32>,
      %add3A_387 = arith.addf %add3A_383, %gather3A_386 : vector<16xf32>
      %broadcast_in_dim3A_388 = arith.constant 15 : i32
      %broadcast_in_dim3A_389 = vector.broadcast %broadcast_in_dim3A_388 : i32 to vector<16xi32>
      %gather3A_390 = tpu.vector_load_idx %arg22[%iota3A, %broadcast_in_dim3A_389] : memref<16x16xf32, #tpu.memory_space<vmem>>[vector<16xi32>, vector<16xi32>], vector<16xf32>,
      %add3A_391 = arith.addf %add3A_387, %gather3A_390 : vector<16xf32>
      %add3A_392 = arith.addf %add3A_391, %get3A_34 : vector<16xf32>
      %neg3A_393 = arith.constant 0.000000e+00 : f32
      %neg3A_394 = vector.broadcast %neg3A_393 : f32 to vector<16xf32>
      %neg3A_395 = arith.subf %neg3A_394, %add3A_392 : vector<16xf32>
      %exp3A_396 = math.exp %neg3A_395 : vector<16xf32>
      %add3A_397 = arith.constant 1.000000e+00 : f32
      %add3A_398 = vector.broadcast %add3A_397 : f32 to vector<16xf32>
      %add3A_399 = arith.addf %add3A_398, %exp3A_396 : vector<16xf32>
      %div3A_400 = arith.constant 1.000000e+00 : f32
      %div3A_401 = vector.broadcast %div3A_400 : f32 to vector<16xf32>
      %div3A_402 = arith.divf %div3A_401, %add3A_399 : vector<16xf32>
      %add3A_403 = arith.constant 0 : i32
      %add3A_404 = arith.addi %mul3A_318, %add3A_403 : i32
      %get3A_405 = arith.index_cast %add3A_404 : i32 to index
      %get3A_406 = tpu.vector_load %arg13[%get3A_405] {strides = array<i32>} : memref<5056xf32, #tpu.memory_space<vmem>>, vector<16xf32>,
      %mul3A_407 = arith.mulf %div3A_402, %get3A_406 : vector<16xf32>
      %swap3A_408 = arith.constant 0 : index
      %swap3A_409 = tpu.vector_load %arg21[%swap3A_408] {strides = array<i32>} : memref<32xf32, #tpu.memory_space<vmem>>, vector<16xf32>,
      tpu.vector_store %arg21[%swap3A_408], %mul3A_407 {strides = array<i32>} : memref<32xf32, #tpu.memory_space<vmem>>, vector<16xf32>,
      %scan3A_410 = arith.constant 0 : i32
      %scan3A_411 = arith.constant 0 : i32
      %scan3A_412 = arith.constant 16 : i32
      %scan3A_413 = arith.addi %scan3A_411, %scan3A_412 : i32
      %scan3A_414 = arith.constant 1 : i32
      %scan3A_415 = scf.for %scan3A_528 = %scan3A_411 to %scan3A_413 step %scan3A_414 iter_args(%scan3A_529 = %scan3A_410) -> (i32)  : i32 {
        %add3A_530 = arith.constant 16 : i32
        %add3A_531 = arith.addi %add3A_530, %scan3A_528 : i32
        %broadcast_in_dim3A_532 = arith.constant 0.000000e+00 : f32
        %broadcast_in_dim3A_533 = vector.broadcast %broadcast_in_dim3A_532 : f32 to vector<16xf32>
        %get3A_534 = arith.index_cast %add3A_531 : i32 to index
        %get3A_535 = arith.constant 0 : index
        %get3A_536 = tpu.vector_load %arg17[%get3A_534, %get3A_535] {strides = array<i32>} : memref<32x128xf32, #tpu.memory_space<vmem>>, vector<16xf32>,
        %get3A_537 = arith.index_cast %add3A_531 : i32 to index
        %get3A_538 = arith.constant 0 : index
        %get3A_539 = tpu.vector_load %arg19[%get3A_537, %get3A_538] {strides = array<i32>} : memref<32x128xf32, #tpu.memory_space<vmem>>, vector<16xf32>,
        %add3A_540 = arith.addf %get3A_536, %get3A_539 : vector<16xf32>
        %max3A = arith.constant 0.000000e+00 : f32
        %max3A_541 = vector.broadcast %max3A : f32 to vector<16xf32>
        %max3A_542 = arith.maximumf %add3A_540, %max3A_541 : vector<16xf32>
        %mul3A_543 = arith.mulf %max3A_542, %get3A_18 : vector<16xf32>
        %add3A_544 = arith.addf %broadcast_in_dim3A_533, %mul3A_543 : vector<16xf32>
        %get3A_545 = arith.index_cast %add3A_531 : i32 to index
        %get3A_546 = arith.constant 16 : index
        %get3A_547 = tpu.vector_load %arg17[%get3A_545, %get3A_546] {strides = array<i32>} : memref<32x128xf32, #tpu.memory_space<vmem>>, vector<16xf32>,
        %get3A_548 = arith.index_cast %add3A_531 : i32 to index
        %get3A_549 = arith.constant 16 : index
        %get3A_550 = tpu.vector_load %arg19[%get3A_548, %get3A_549] {strides = array<i32>} : memref<32x128xf32, #tpu.memory_space<vmem>>, vector<16xf32>,
        %add3A_551 = arith.addf %get3A_547, %get3A_550 : vector<16xf32>
        %max3A_552 = arith.constant 0.000000e+00 : f32
        %max3A_553 = vector.broadcast %max3A_552 : f32 to vector<16xf32>
        %max3A_554 = arith.maximumf %add3A_551, %max3A_553 : vector<16xf32>
        %mul3A_555 = arith.mulf %max3A_554, %get3A_20 : vector<16xf32>
        %add3A_556 = arith.addf %add3A_544, %mul3A_555 : vector<16xf32>
        %get3A_557 = arith.index_cast %add3A_531 : i32 to index
        %get3A_558 = arith.constant 32 : index
        %get3A_559 = tpu.vector_load %arg17[%get3A_557, %get3A_558] {strides = array<i32>} : memref<32x128xf32, #tpu.memory_space<vmem>>, vector<16xf32>,
        %get3A_560 = arith.index_cast %add3A_531 : i32 to index
        %get3A_561 = arith.constant 32 : index
        %get3A_562 = tpu.vector_load %arg19[%get3A_560, %get3A_561] {strides = array<i32>} : memref<32x128xf32, #tpu.memory_space<vmem>>, vector<16xf32>,
        %add3A_563 = arith.addf %get3A_559, %get3A_562 : vector<16xf32>
        %max3A_564 = arith.constant 0.000000e+00 : f32
        %max3A_565 = vector.broadcast %max3A_564 : f32 to vector<16xf32>
        %max3A_566 = arith.maximumf %add3A_563, %max3A_565 : vector<16xf32>
        %mul3A_567 = arith.mulf %max3A_566, %get3A_22 : vector<16xf32>
        %add3A_568 = arith.addf %add3A_556, %mul3A_567 : vector<16xf32>
        %get3A_569 = arith.index_cast %add3A_531 : i32 to index
        %get3A_570 = arith.constant 48 : index
        %get3A_571 = tpu.vector_load %arg17[%get3A_569, %get3A_570] {strides = array<i32>} : memref<32x128xf32, #tpu.memory_space<vmem>>, vector<16xf32>,
        %get3A_572 = arith.index_cast %add3A_531 : i32 to index
        %get3A_573 = arith.constant 48 : index
        %get3A_574 = tpu.vector_load %arg19[%get3A_572, %get3A_573] {strides = array<i32>} : memref<32x128xf32, #tpu.memory_space<vmem>>, vector<16xf32>,
        %add3A_575 = arith.addf %get3A_571, %get3A_574 : vector<16xf32>
        %max3A_576 = arith.constant 0.000000e+00 : f32
        %max3A_577 = vector.broadcast %max3A_576 : f32 to vector<16xf32>
        %max3A_578 = arith.maximumf %add3A_575, %max3A_577 : vector<16xf32>
        %mul3A_579 = arith.mulf %max3A_578, %get3A_24 : vector<16xf32>
        %add3A_580 = arith.addf %add3A_568, %mul3A_579 : vector<16xf32>
        %get3A_581 = arith.index_cast %add3A_531 : i32 to index
        %get3A_582 = arith.constant 64 : index
        %get3A_583 = tpu.vector_load %arg17[%get3A_581, %get3A_582] {strides = array<i32>} : memref<32x128xf32, #tpu.memory_space<vmem>>, vector<16xf32>,
        %get3A_584 = arith.index_cast %add3A_531 : i32 to index
        %get3A_585 = arith.constant 64 : index
        %get3A_586 = tpu.vector_load %arg19[%get3A_584, %get3A_585] {strides = array<i32>} : memref<32x128xf32, #tpu.memory_space<vmem>>, vector<16xf32>,
        %add3A_587 = arith.addf %get3A_583, %get3A_586 : vector<16xf32>
        %max3A_588 = arith.constant 0.000000e+00 : f32
        %max3A_589 = vector.broadcast %max3A_588 : f32 to vector<16xf32>
        %max3A_590 = arith.maximumf %add3A_587, %max3A_589 : vector<16xf32>
        %mul3A_591 = arith.mulf %max3A_590, %get3A_26 : vector<16xf32>
        %add3A_592 = arith.addf %add3A_580, %mul3A_591 : vector<16xf32>
        %get3A_593 = arith.index_cast %add3A_531 : i32 to index
        %get3A_594 = arith.constant 80 : index
        %get3A_595 = tpu.vector_load %arg17[%get3A_593, %get3A_594] {strides = array<i32>} : memref<32x128xf32, #tpu.memory_space<vmem>>, vector<16xf32>,
        %get3A_596 = arith.index_cast %add3A_531 : i32 to index
        %get3A_597 = arith.constant 80 : index
        %get3A_598 = tpu.vector_load %arg19[%get3A_596, %get3A_597] {strides = array<i32>} : memref<32x128xf32, #tpu.memory_space<vmem>>, vector<16xf32>,
        %add3A_599 = arith.addf %get3A_595, %get3A_598 : vector<16xf32>
        %max3A_600 = arith.constant 0.000000e+00 : f32
        %max3A_601 = vector.broadcast %max3A_600 : f32 to vector<16xf32>
        %max3A_602 = arith.maximumf %add3A_599, %max3A_601 : vector<16xf32>
        %mul3A_603 = arith.mulf %max3A_602, %get3A_28 : vector<16xf32>
        %add3A_604 = arith.addf %add3A_592, %mul3A_603 : vector<16xf32>
        %get3A_605 = arith.index_cast %add3A_531 : i32 to index
        %get3A_606 = arith.constant 96 : index
        %get3A_607 = tpu.vector_load %arg17[%get3A_605, %get3A_606] {strides = array<i32>} : memref<32x128xf32, #tpu.memory_space<vmem>>, vector<16xf32>,
        %get3A_608 = arith.index_cast %add3A_531 : i32 to index
        %get3A_609 = arith.constant 96 : index
        %get3A_610 = tpu.vector_load %arg19[%get3A_608, %get3A_609] {strides = array<i32>} : memref<32x128xf32, #tpu.memory_space<vmem>>, vector<16xf32>,
        %add3A_611 = arith.addf %get3A_607, %get3A_610 : vector<16xf32>
        %max3A_612 = arith.constant 0.000000e+00 : f32
        %max3A_613 = vector.broadcast %max3A_612 : f32 to vector<16xf32>
        %max3A_614 = arith.maximumf %add3A_611, %max3A_613 : vector<16xf32>
        %mul3A_615 = arith.mulf %max3A_614, %get3A_30 : vector<16xf32>
        %add3A_616 = arith.addf %add3A_604, %mul3A_615 : vector<16xf32>
        %get3A_617 = arith.index_cast %add3A_531 : i32 to index
        %get3A_618 = arith.constant 112 : index
        %get3A_619 = tpu.vector_load %arg17[%get3A_617, %get3A_618] {strides = array<i32>} : memref<32x128xf32, #tpu.memory_space<vmem>>, vector<16xf32>,
        %get3A_620 = arith.index_cast %add3A_531 : i32 to index
        %get3A_621 = arith.constant 112 : index
        %get3A_622 = tpu.vector_load %arg19[%get3A_620, %get3A_621] {strides = array<i32>} : memref<32x128xf32, #tpu.memory_space<vmem>>, vector<16xf32>,
        %add3A_623 = arith.addf %get3A_619, %get3A_622 : vector<16xf32>
        %max3A_624 = arith.constant 0.000000e+00 : f32
        %max3A_625 = vector.broadcast %max3A_624 : f32 to vector<16xf32>
        %max3A_626 = arith.maximumf %add3A_623, %max3A_625 : vector<16xf32>
        %mul3A_627 = arith.mulf %max3A_626, %get3A_32 : vector<16xf32>
        %add3A_628 = arith.addf %add3A_616, %mul3A_627 : vector<16xf32>
        %swap3A_629 = arith.index_cast %scan3A_528 : i32 to index
        %swap3A_630 = arith.constant 0 : index
        %swap3A_631 = tpu.vector_load %arg22[%swap3A_629, %swap3A_630] {strides = array<i32>} : memref<16x16xf32, #tpu.memory_space<vmem>>, vector<16xf32>,
        tpu.vector_store %arg22[%swap3A_629, %swap3A_630], %add3A_628 {strides = array<i32>} : memref<16x16xf32, #tpu.memory_space<vmem>>, vector<16xf32>,
        %scan3A_632 = arith.constant 0 : i32
        scf.yield %scan3A_632 : i32
      }
      %scan3A_416 = arith.constant 16 : i32
      %broadcast_in_dim3A_417 = arith.constant 0.000000e+00 : f32
      %broadcast_in_dim3A_418 = vector.broadcast %broadcast_in_dim3A_417 : f32 to vector<16xf32>
      %broadcast_in_dim3A_419 = arith.constant 0 : i32
      %broadcast_in_dim3A_420 = vector.broadcast %broadcast_in_dim3A_419 : i32 to vector<16xi32>
      %gather3A_421 = tpu.vector_load_idx %arg22[%iota3A, %broadcast_in_dim3A_420] : memref<16x16xf32, #tpu.memory_space<vmem>>[vector<16xi32>, vector<16xi32>], vector<16xf32>,
      %add3A_422 = arith.addf %broadcast_in_dim3A_418, %gather3A_421 : vector<16xf32>
      %broadcast_in_dim3A_423 = arith.constant 1 : i32
      %broadcast_in_dim3A_424 = vector.broadcast %broadcast_in_dim3A_423 : i32 to vector<16xi32>
      %gather3A_425 = tpu.vector_load_idx %arg22[%iota3A, %broadcast_in_dim3A_424] : memref<16x16xf32, #tpu.memory_space<vmem>>[vector<16xi32>, vector<16xi32>], vector<16xf32>,
      %add3A_426 = arith.addf %add3A_422, %gather3A_425 : vector<16xf32>
      %broadcast_in_dim3A_427 = arith.constant 2 : i32
      %broadcast_in_dim3A_428 = vector.broadcast %broadcast_in_dim3A_427 : i32 to vector<16xi32>
      %gather3A_429 = tpu.vector_load_idx %arg22[%iota3A, %broadcast_in_dim3A_428] : memref<16x16xf32, #tpu.memory_space<vmem>>[vector<16xi32>, vector<16xi32>], vector<16xf32>,
      %add3A_430 = arith.addf %add3A_426, %gather3A_429 : vector<16xf32>
      %broadcast_in_dim3A_431 = arith.constant 3 : i32
      %broadcast_in_dim3A_432 = vector.broadcast %broadcast_in_dim3A_431 : i32 to vector<16xi32>
      %gather3A_433 = tpu.vector_load_idx %arg22[%iota3A, %broadcast_in_dim3A_432] : memref<16x16xf32, #tpu.memory_space<vmem>>[vector<16xi32>, vector<16xi32>], vector<16xf32>,
      %add3A_434 = arith.addf %add3A_430, %gather3A_433 : vector<16xf32>
      %broadcast_in_dim3A_435 = arith.constant 4 : i32
      %broadcast_in_dim3A_436 = vector.broadcast %broadcast_in_dim3A_435 : i32 to vector<16xi32>
      %gather3A_437 = tpu.vector_load_idx %arg22[%iota3A, %broadcast_in_dim3A_436] : memref<16x16xf32, #tpu.memory_space<vmem>>[vector<16xi32>, vector<16xi32>], vector<16xf32>,
      %add3A_438 = arith.addf %add3A_434, %gather3A_437 : vector<16xf32>
      %broadcast_in_dim3A_439 = arith.constant 5 : i32
      %broadcast_in_dim3A_440 = vector.broadcast %broadcast_in_dim3A_439 : i32 to vector<16xi32>
      %gather3A_441 = tpu.vector_load_idx %arg22[%iota3A, %broadcast_in_dim3A_440] : memref<16x16xf32, #tpu.memory_space<vmem>>[vector<16xi32>, vector<16xi32>], vector<16xf32>,
      %add3A_442 = arith.addf %add3A_438, %gather3A_441 : vector<16xf32>
      %broadcast_in_dim3A_443 = arith.constant 6 : i32
      %broadcast_in_dim3A_444 = vector.broadcast %broadcast_in_dim3A_443 : i32 to vector<16xi32>
      %gather3A_445 = tpu.vector_load_idx %arg22[%iota3A, %broadcast_in_dim3A_444] : memref<16x16xf32, #tpu.memory_space<vmem>>[vector<16xi32>, vector<16xi32>], vector<16xf32>,
      %add3A_446 = arith.addf %add3A_442, %gather3A_445 : vector<16xf32>
      %broadcast_in_dim3A_447 = arith.constant 7 : i32
      %broadcast_in_dim3A_448 = vector.broadcast %broadcast_in_dim3A_447 : i32 to vector<16xi32>
      %gather3A_449 = tpu.vector_load_idx %arg22[%iota3A, %broadcast_in_dim3A_448] : memref<16x16xf32, #tpu.memory_space<vmem>>[vector<16xi32>, vector<16xi32>], vector<16xf32>,
      %add3A_450 = arith.addf %add3A_446, %gather3A_449 : vector<16xf32>
      %broadcast_in_dim3A_451 = arith.constant 8 : i32
      %broadcast_in_dim3A_452 = vector.broadcast %broadcast_in_dim3A_451 : i32 to vector<16xi32>
      %gather3A_453 = tpu.vector_load_idx %arg22[%iota3A, %broadcast_in_dim3A_452] : memref<16x16xf32, #tpu.memory_space<vmem>>[vector<16xi32>, vector<16xi32>], vector<16xf32>,
      %add3A_454 = arith.addf %add3A_450, %gather3A_453 : vector<16xf32>
      %broadcast_in_dim3A_455 = arith.constant 9 : i32
      %broadcast_in_dim3A_456 = vector.broadcast %broadcast_in_dim3A_455 : i32 to vector<16xi32>
      %gather3A_457 = tpu.vector_load_idx %arg22[%iota3A, %broadcast_in_dim3A_456] : memref<16x16xf32, #tpu.memory_space<vmem>>[vector<16xi32>, vector<16xi32>], vector<16xf32>,
      %add3A_458 = arith.addf %add3A_454, %gather3A_457 : vector<16xf32>
      %broadcast_in_dim3A_459 = arith.constant 10 : i32
      %broadcast_in_dim3A_460 = vector.broadcast %broadcast_in_dim3A_459 : i32 to vector<16xi32>
      %gather3A_461 = tpu.vector_load_idx %arg22[%iota3A, %broadcast_in_dim3A_460] : memref<16x16xf32, #tpu.memory_space<vmem>>[vector<16xi32>, vector<16xi32>], vector<16xf32>,
      %add3A_462 = arith.addf %add3A_458, %gather3A_461 : vector<16xf32>
      %broadcast_in_dim3A_463 = arith.constant 11 : i32
      %broadcast_in_dim3A_464 = vector.broadcast %broadcast_in_dim3A_463 : i32 to vector<16xi32>
      %gather3A_465 = tpu.vector_load_idx %arg22[%iota3A, %broadcast_in_dim3A_464] : memref<16x16xf32, #tpu.memory_space<vmem>>[vector<16xi32>, vector<16xi32>], vector<16xf32>,
      %add3A_466 = arith.addf %add3A_462, %gather3A_465 : vector<16xf32>
      %broadcast_in_dim3A_467 = arith.constant 12 : i32
      %broadcast_in_dim3A_468 = vector.broadcast %broadcast_in_dim3A_467 : i32 to vector<16xi32>
      %gather3A_469 = tpu.vector_load_idx %arg22[%iota3A, %broadcast_in_dim3A_468] : memref<16x16xf32, #tpu.memory_space<vmem>>[vector<16xi32>, vector<16xi32>], vector<16xf32>,
      %add3A_470 = arith.addf %add3A_466, %gather3A_469 : vector<16xf32>
      %broadcast_in_dim3A_471 = arith.constant 13 : i32
      %broadcast_in_dim3A_472 = vector.broadcast %broadcast_in_dim3A_471 : i32 to vector<16xi32>
      %gather3A_473 = tpu.vector_load_idx %arg22[%iota3A, %broadcast_in_dim3A_472] : memref<16x16xf32, #tpu.memory_space<vmem>>[vector<16xi32>, vector<16xi32>], vector<16xf32>,
      %add3A_474 = arith.addf %add3A_470, %gather3A_473 : vector<16xf32>
      %broadcast_in_dim3A_475 = arith.constant 14 : i32
      %broadcast_in_dim3A_476 = vector.broadcast %broadcast_in_dim3A_475 : i32 to vector<16xi32>
      %gather3A_477 = tpu.vector_load_idx %arg22[%iota3A, %broadcast_in_dim3A_476] : memref<16x16xf32, #tpu.memory_space<vmem>>[vector<16xi32>, vector<16xi32>], vector<16xf32>,
      %add3A_478 = arith.addf %add3A_474, %gather3A_477 : vector<16xf32>
      %broadcast_in_dim3A_479 = arith.constant 15 : i32
      %broadcast_in_dim3A_480 = vector.broadcast %broadcast_in_dim3A_479 : i32 to vector<16xi32>
      %gather3A_481 = tpu.vector_load_idx %arg22[%iota3A, %broadcast_in_dim3A_480] : memref<16x16xf32, #tpu.memory_space<vmem>>[vector<16xi32>, vector<16xi32>], vector<16xf32>,
      %add3A_482 = arith.addf %add3A_478, %gather3A_481 : vector<16xf32>
      %add3A_483 = arith.addf %add3A_482, %get3A_34 : vector<16xf32>
      %neg3A_484 = arith.constant 0.000000e+00 : f32
      %neg3A_485 = vector.broadcast %neg3A_484 : f32 to vector<16xf32>
      %neg3A_486 = arith.subf %neg3A_485, %add3A_483 : vector<16xf32>
      %exp3A_487 = math.exp %neg3A_486 : vector<16xf32>
      %add3A_488 = arith.constant 1.000000e+00 : f32
      %add3A_489 = vector.broadcast %add3A_488 : f32 to vector<16xf32>
      %add3A_490 = arith.addf %add3A_489, %exp3A_487 : vector<16xf32>
      %div3A_491 = arith.constant 1.000000e+00 : f32
      %div3A_492 = vector.broadcast %div3A_491 : f32 to vector<16xf32>
      %div3A_493 = arith.divf %div3A_492, %add3A_490 : vector<16xf32>
      %add3A_494 = arith.constant 16 : i32
      %add3A_495 = arith.addi %mul3A_318, %add3A_494 : i32
      %get3A_496 = arith.index_cast %add3A_495 : i32 to index
      %get3A_497 = tpu.vector_load %arg13[%get3A_496] {strides = array<i32>} : memref<5056xf32, #tpu.memory_space<vmem>>, vector<16xf32>,
      %mul3A_498 = arith.mulf %div3A_493, %get3A_497 : vector<16xf32>
      %swap3A_499 = arith.constant 16 : index
      %swap3A_500 = tpu.vector_load %arg21[%swap3A_499] {strides = array<i32>} : memref<32xf32, #tpu.memory_space<vmem>>, vector<16xf32>,
      tpu.vector_store %arg21[%swap3A_499], %mul3A_498 {strides = array<i32>} : memref<32xf32, #tpu.memory_space<vmem>>, vector<16xf32>,
      %scan3A_501 = arith.constant 0 : i32
      %scan3A_502 = arith.constant 0 : i32
      %scan3A_503 = arith.constant 32 : i32
      %scan3A_504 = arith.addi %scan3A_502, %scan3A_503 : i32
      %scan3A_505 = arith.constant 1 : i32
      %scan3A_506 = scf.for %scan3A_528 = %scan3A_502 to %scan3A_504 step %scan3A_505 iter_args(%scan3A_529 = %scan3A_501) -> (i32)  : i32 {
        %broadcast_in_dim3A_530 = vector.broadcast %scan3A_528 : i32 to vector<16xi32>
        %gather3A_531 = tpu.vector_load_idx %arg21[%broadcast_in_dim3A_530] : memref<32xf32, #tpu.memory_space<vmem>>[vector<16xi32>], vector<16xf32>,
        %get3A_532 = arith.index_cast %scan3A_528 : i32 to index
        %get3A_533 = arith.constant 0 : index
        %get3A_534 = tpu.vector_load %arg15[%get3A_532, %get3A_533] {strides = array<i32>} : memref<32x128xf32, #tpu.memory_space<vmem>>, vector<16xf32>,
        %mul3A_535 = arith.mulf %get3A_534, %gather3A_531 : vector<16xf32>
        %swap3A_536 = arith.index_cast %scan3A_528 : i32 to index
        %swap3A_537 = arith.constant 0 : index
        %swap3A_538 = tpu.vector_load %arg15[%swap3A_536, %swap3A_537] {strides = array<i32>} : memref<32x128xf32, #tpu.memory_space<vmem>>, vector<16xf32>,
        tpu.vector_store %arg15[%swap3A_536, %swap3A_537], %mul3A_535 {strides = array<i32>} : memref<32x128xf32, #tpu.memory_space<vmem>>, vector<16xf32>,
        %get3A_539 = arith.index_cast %scan3A_528 : i32 to index
        %get3A_540 = arith.constant 16 : index
        %get3A_541 = tpu.vector_load %arg15[%get3A_539, %get3A_540] {strides = array<i32>} : memref<32x128xf32, #tpu.memory_space<vmem>>, vector<16xf32>,
        %mul3A_542 = arith.mulf %get3A_541, %gather3A_531 : vector<16xf32>
        %swap3A_543 = arith.index_cast %scan3A_528 : i32 to index
        %swap3A_544 = arith.constant 16 : index
        %swap3A_545 = tpu.vector_load %arg15[%swap3A_543, %swap3A_544] {strides = array<i32>} : memref<32x128xf32, #tpu.memory_space<vmem>>, vector<16xf32>,
        tpu.vector_store %arg15[%swap3A_543, %swap3A_544], %mul3A_542 {strides = array<i32>} : memref<32x128xf32, #tpu.memory_space<vmem>>, vector<16xf32>,
        %get3A_546 = arith.index_cast %scan3A_528 : i32 to index
        %get3A_547 = arith.constant 32 : index
        %get3A_548 = tpu.vector_load %arg15[%get3A_546, %get3A_547] {strides = array<i32>} : memref<32x128xf32, #tpu.memory_space<vmem>>, vector<16xf32>,
        %mul3A_549 = arith.mulf %get3A_548, %gather3A_531 : vector<16xf32>
        %swap3A_550 = arith.index_cast %scan3A_528 : i32 to index
        %swap3A_551 = arith.constant 32 : index
        %swap3A_552 = tpu.vector_load %arg15[%swap3A_550, %swap3A_551] {strides = array<i32>} : memref<32x128xf32, #tpu.memory_space<vmem>>, vector<16xf32>,
        tpu.vector_store %arg15[%swap3A_550, %swap3A_551], %mul3A_549 {strides = array<i32>} : memref<32x128xf32, #tpu.memory_space<vmem>>, vector<16xf32>,
        %get3A_553 = arith.index_cast %scan3A_528 : i32 to index
        %get3A_554 = arith.constant 48 : index
        %get3A_555 = tpu.vector_load %arg15[%get3A_553, %get3A_554] {strides = array<i32>} : memref<32x128xf32, #tpu.memory_space<vmem>>, vector<16xf32>,
        %mul3A_556 = arith.mulf %get3A_555, %gather3A_531 : vector<16xf32>
        %swap3A_557 = arith.index_cast %scan3A_528 : i32 to index
        %swap3A_558 = arith.constant 48 : index
        %swap3A_559 = tpu.vector_load %arg15[%swap3A_557, %swap3A_558] {strides = array<i32>} : memref<32x128xf32, #tpu.memory_space<vmem>>, vector<16xf32>,
        tpu.vector_store %arg15[%swap3A_557, %swap3A_558], %mul3A_556 {strides = array<i32>} : memref<32x128xf32, #tpu.memory_space<vmem>>, vector<16xf32>,
        %get3A_560 = arith.index_cast %scan3A_528 : i32 to index
        %get3A_561 = arith.constant 64 : index
        %get3A_562 = tpu.vector_load %arg15[%get3A_560, %get3A_561] {strides = array<i32>} : memref<32x128xf32, #tpu.memory_space<vmem>>, vector<16xf32>,
        %mul3A_563 = arith.mulf %get3A_562, %gather3A_531 : vector<16xf32>
        %swap3A_564 = arith.index_cast %scan3A_528 : i32 to index
        %swap3A_565 = arith.constant 64 : index
        %swap3A_566 = tpu.vector_load %arg15[%swap3A_564, %swap3A_565] {strides = array<i32>} : memref<32x128xf32, #tpu.memory_space<vmem>>, vector<16xf32>,
        tpu.vector_store %arg15[%swap3A_564, %swap3A_565], %mul3A_563 {strides = array<i32>} : memref<32x128xf32, #tpu.memory_space<vmem>>, vector<16xf32>,
        %get3A_567 = arith.index_cast %scan3A_528 : i32 to index
        %get3A_568 = arith.constant 80 : index
        %get3A_569 = tpu.vector_load %arg15[%get3A_567, %get3A_568] {strides = array<i32>} : memref<32x128xf32, #tpu.memory_space<vmem>>, vector<16xf32>,
        %mul3A_570 = arith.mulf %get3A_569, %gather3A_531 : vector<16xf32>
        %swap3A_571 = arith.index_cast %scan3A_528 : i32 to index
        %swap3A_572 = arith.constant 80 : index
        %swap3A_573 = tpu.vector_load %arg15[%swap3A_571, %swap3A_572] {strides = array<i32>} : memref<32x128xf32, #tpu.memory_space<vmem>>, vector<16xf32>,
        tpu.vector_store %arg15[%swap3A_571, %swap3A_572], %mul3A_570 {strides = array<i32>} : memref<32x128xf32, #tpu.memory_space<vmem>>, vector<16xf32>,
        %get3A_574 = arith.index_cast %scan3A_528 : i32 to index
        %get3A_575 = arith.constant 96 : index
        %get3A_576 = tpu.vector_load %arg15[%get3A_574, %get3A_575] {strides = array<i32>} : memref<32x128xf32, #tpu.memory_space<vmem>>, vector<16xf32>,
        %mul3A_577 = arith.mulf %get3A_576, %gather3A_531 : vector<16xf32>
        %swap3A_578 = arith.index_cast %scan3A_528 : i32 to index
        %swap3A_579 = arith.constant 96 : index
        %swap3A_580 = tpu.vector_load %arg15[%swap3A_578, %swap3A_579] {strides = array<i32>} : memref<32x128xf32, #tpu.memory_space<vmem>>, vector<16xf32>,
        tpu.vector_store %arg15[%swap3A_578, %swap3A_579], %mul3A_577 {strides = array<i32>} : memref<32x128xf32, #tpu.memory_space<vmem>>, vector<16xf32>,
        %get3A_581 = arith.index_cast %scan3A_528 : i32 to index
        %get3A_582 = arith.constant 112 : index
        %get3A_583 = tpu.vector_load %arg15[%get3A_581, %get3A_582] {strides = array<i32>} : memref<32x128xf32, #tpu.memory_space<vmem>>, vector<16xf32>,
        %mul3A_584 = arith.mulf %get3A_583, %gather3A_531 : vector<16xf32>
        %swap3A_585 = arith.index_cast %scan3A_528 : i32 to index
        %swap3A_586 = arith.constant 112 : index
        %swap3A_587 = tpu.vector_load %arg15[%swap3A_585, %swap3A_586] {strides = array<i32>} : memref<32x128xf32, #tpu.memory_space<vmem>>, vector<16xf32>,
        tpu.vector_store %arg15[%swap3A_585, %swap3A_586], %mul3A_584 {strides = array<i32>} : memref<32x128xf32, #tpu.memory_space<vmem>>, vector<16xf32>,
        %scan3A_588 = arith.constant 0 : i32
        scf.yield %scan3A_588 : i32
      }
      %scan3A_507 = arith.constant 32 : i32
      %add3A_508 = arith.constant 0 : i32
      %add3A_509 = arith.addi %mul3A_318, %add3A_508 : i32
      %get3A_510 = arith.index_cast %add3A_509 : i32 to index
      %get3A_511 = tpu.vector_load %arg12[%get3A_510] {strides = array<i32>} : memref<5056xi32, #tpu.memory_space<vmem>>, vector<16xi32>,
      %swap3A_512 = arith.constant 0 : index
      %swap3A_513 = tpu.vector_load %arg20[%swap3A_512] {strides = array<i32>} : memref<32xi32, #tpu.memory_space<vmem>>, vector<16xi32>,
      tpu.vector_store %arg20[%swap3A_512], %get3A_511 {strides = array<i32>} : memref<32xi32, #tpu.memory_space<vmem>>, vector<16xi32>,
      %add3A_514 = arith.constant 16 : i32
      %add3A_515 = arith.addi %mul3A_318, %add3A_514 : i32
      %get3A_516 = arith.index_cast %add3A_515 : i32 to index
      %get3A_517 = tpu.vector_load %arg12[%get3A_516] {strides = array<i32>} : memref<5056xi32, #tpu.memory_space<vmem>>, vector<16xi32>,
      %swap3A_518 = arith.constant 16 : index
      %swap3A_519 = tpu.vector_load %arg20[%swap3A_518] {strides = array<i32>} : memref<32xi32, #tpu.memory_space<vmem>>, vector<16xi32>,
      tpu.vector_store %arg20[%swap3A_518], %get3A_517 {strides = array<i32>} : memref<32xi32, #tpu.memory_space<vmem>>, vector<16xi32>,
      "tpu.region"() ({
        %run_scoped3A = tpu.sem_alloc : memref<!tpu.dma_semaphore, #tpu.memory_space<semaphore_mem>>
        %dma_start3A_528 = arith.constant 0 : i32
        %dma_start3A_529 = arith.constant 0 : i32
        %dma_start3A_530 = tpu.memref_slice %arg26[%dma_start3A_528, %dma_start3A_529] : memref<10000x128xf32, #tpu.memory_space<vmem_shared>> -> memref<10000x128xf32, #tpu.memory_space<vmem_shared>>
        tpu.enqueue_indirect_dma source(%arg15 : memref<32x128xf32, #tpu.memory_space<vmem>>) target(%dma_start3A_530 : memref<10000x128xf32, #tpu.memory_space<vmem_shared>>) offsets(%arg20 : memref<32xi32, #tpu.memory_space<vmem>>) semaphore(%run_scoped3A : memref<!tpu.dma_semaphore, #tpu.memory_space<semaphore_mem>>) {add = true}
        %dma_wait3A_531 = arith.constant 0 : i32
        %dma_wait3A_532 = arith.constant 0 : i32
        %dma_wait3A_533 = tpu.memref_slice %arg26[%dma_wait3A_531, %dma_wait3A_532] : memref<10000x128xf32, #tpu.memory_space<vmem_shared>> -> memref<10000x128xf32, #tpu.memory_space<vmem_shared>>
        tpu.wait_indirect_dma semaphore(%run_scoped3A : memref<!tpu.dma_semaphore, #tpu.memory_space<semaphore_mem>>) src(%arg15 : memref<32x128xf32, #tpu.memory_space<vmem>>) dst(%dma_wait3A_533 : memref<10000x128xf32, #tpu.memory_space<vmem_shared>>)
        tpu.yield
      }) : () -> ()
      %add3A_520 = arith.constant 2 : i32
      %add3A_521 = arith.addi %add3A_302, %add3A_520 : i32
      %lt3A_522 = arith.constant 158 : i32
      %lt3A_523 = arith.cmpi slt, %add3A_521, %lt3A_522 : i32
      %convert_element_type3A_524 = arith.extui %lt3A_523 : i1 to i32
      %cond3A_525 = arith.constant 0 : i32
      %cond3A_526 = arith.cmpi ne, %convert_element_type3A_524, %cond3A_525 : i32
      scf.if %cond3A_526 {
        %add3A_528 = arith.constant 2 : i32
        %add3A_529 = arith.addi %add3A_302, %add3A_528 : i32
        %mul3A_530 = arith.constant 32 : i32
        %mul3A_531 = arith.muli %add3A_529, %mul3A_530 : i32
        %dma_start3A_532 = tpu.memref_slice %arg11[%mul3A_531] : memref<5056xi32, #tpu.memory_space<vmem>> -> memref<32xi32, #tpu.memory_space<vmem>>
        %dma_start3A_533 = arith.constant 0 : i32
        %dma_start3A_534 = arith.constant 0 : i32
        %dma_start3A_535 = tpu.memref_slice %arg2[%dma_start3A_533, %dma_start3A_534] : memref<80000x128xf32, #tpu.memory_space<hbm>> -> memref<80000x128xf32, #tpu.memory_space<hbm>>
        tpu.enqueue_indirect_dma source(%dma_start3A_535 : memref<80000x128xf32, #tpu.memory_space<hbm>>) target(%arg15 : memref<32x128xf32, #tpu.memory_space<vmem>>) offsets(%dma_start3A_532 : memref<32xi32, #tpu.memory_space<vmem>>) semaphore(%arg30 : memref<!tpu.dma_semaphore, #tpu.memory_space<semaphore_mem>>)
        %dma_start3A_536 = tpu.memref_slice %arg11[%mul3A_531] : memref<5056xi32, #tpu.memory_space<vmem>> -> memref<32xi32, #tpu.memory_space<vmem>>
        %dma_start3A_537 = arith.constant 0 : i32
        %dma_start3A_538 = arith.constant 0 : i32
        %dma_start3A_539 = tpu.memref_slice %arg3[%dma_start3A_537, %dma_start3A_538] : memref<80000x128xf32, #tpu.memory_space<hbm>> -> memref<80000x128xf32, #tpu.memory_space<hbm>>
        tpu.enqueue_indirect_dma source(%dma_start3A_539 : memref<80000x128xf32, #tpu.memory_space<hbm>>) target(%arg17 : memref<32x128xf32, #tpu.memory_space<vmem>>) offsets(%dma_start3A_536 : memref<32xi32, #tpu.memory_space<vmem>>) semaphore(%arg31 : memref<!tpu.dma_semaphore, #tpu.memory_space<semaphore_mem>>)
        %dma_start3A_540 = tpu.memref_slice %arg12[%mul3A_531] : memref<5056xi32, #tpu.memory_space<vmem>> -> memref<32xi32, #tpu.memory_space<vmem>>
        %dma_start3A_541 = arith.constant 0 : i32
        %dma_start3A_542 = arith.constant 0 : i32
        %dma_start3A_543 = tpu.memref_slice %arg4[%dma_start3A_541, %dma_start3A_542] : memref<10000x128xf32, #tpu.memory_space<hbm>> -> memref<10000x128xf32, #tpu.memory_space<hbm>>
        tpu.enqueue_indirect_dma source(%dma_start3A_543 : memref<10000x128xf32, #tpu.memory_space<hbm>>) target(%arg19 : memref<32x128xf32, #tpu.memory_space<vmem>>) offsets(%dma_start3A_540 : memref<32xi32, #tpu.memory_space<vmem>>) semaphore(%arg32 : memref<!tpu.dma_semaphore, #tpu.memory_space<semaphore_mem>>)
      } else {
      }
      %scan3A_527 = arith.constant 0 : i32
      scf.yield %scan3A_527 : i32
    }
    %scan3A_70 = arith.constant 79 : i32
    %barrier3A_71 = arith.constant 0 : index
    tpu.barrier barrier_id(%barrier3A_71)
    %mul3A_72 = arith.constant 624 : i32
    %mul3A_73 = arith.muli %arg1, %mul3A_72 : i32
    "tpu.region"() ({
      %run_scoped3A = tpu.sem_alloc : memref<!tpu.dma_semaphore, #tpu.memory_space<semaphore_mem>>
      %dma_start3A_79 = arith.constant 0 : i32
      %dma_start3A_80 = tpu.memref_slice %arg10[%arg0, %mul3A_73, %dma_start3A_79] : memref<2x10000x128xf32, #tpu.memory_space<hbm>> -> memref<1x624x128xf32, #tpu.memory_space<hbm>>
      %dma_start3A_81 = tpu.memref_squeeze %dma_start3A_80 : memref<1x624x128xf32, #tpu.memory_space<hbm>> -> memref<624x128xf32, #tpu.memory_space<hbm>>
      %dma_start3A_82 = arith.constant 0 : i32
      %dma_start3A_83 = tpu.memref_slice %arg26[%mul3A_73, %dma_start3A_82] : memref<10000x128xf32, #tpu.memory_space<vmem_shared>> -> memref<624x128xf32, #tpu.memory_space<vmem_shared>>
      tpu.enqueue_dma source(%dma_start3A_83 : memref<624x128xf32, #tpu.memory_space<vmem_shared>>) target(%dma_start3A_81 : memref<624x128xf32, #tpu.memory_space<hbm>>) target_semaphore(%run_scoped3A : memref<!tpu.dma_semaphore, #tpu.memory_space<semaphore_mem>>)
      %dma_wait3A = arith.constant 0 : i32
      %dma_wait3A_84 = tpu.memref_slice %arg10[%arg0, %mul3A_73, %dma_wait3A] : memref<2x10000x128xf32, #tpu.memory_space<hbm>> -> memref<1x624x128xf32, #tpu.memory_space<hbm>>
      %dma_wait3A_85 = tpu.memref_squeeze %dma_wait3A_84 : memref<1x624x128xf32, #tpu.memory_space<hbm>> -> memref<624x128xf32, #tpu.memory_space<hbm>>
      %dma_wait3A_86 = arith.constant 0 : i32
      %dma_wait3A_87 = tpu.memref_slice %arg26[%mul3A_73, %dma_wait3A_86] : memref<10000x128xf32, #tpu.memory_space<vmem_shared>> -> memref<624x128xf32, #tpu.memory_space<vmem_shared>>
      tpu.wait_dma2 semaphore(%run_scoped3A : memref<!tpu.dma_semaphore, #tpu.memory_space<semaphore_mem>>) src(%dma_wait3A_87 : memref<624x128xf32, #tpu.memory_space<vmem_shared>>) dst(%dma_wait3A_85 : memref<624x128xf32, #tpu.memory_space<hbm>>)
      tpu.yield
    }) : () -> ()
    %eq3A_74 = arith.constant 15 : i32
    %eq3A_75 = arith.cmpi eq, %arg1, %eq3A_74 : i32
    %convert_element_type3A_76 = arith.extui %eq3A_75 : i1 to i32
    %cond3A_77 = arith.constant 0 : i32
    %cond3A_78 = arith.cmpi ne, %convert_element_type3A_76, %cond3A_77 : i32
    scf.if %cond3A_78 {
      "tpu.region"() ({
        %run_scoped3A = tpu.sem_alloc : memref<!tpu.dma_semaphore, #tpu.memory_space<semaphore_mem>>
        %dma_start3A_79 = arith.constant 9984 : i32
        %dma_start3A_80 = arith.constant 0 : i32
        %dma_start3A_81 = tpu.memref_slice %arg10[%arg0, %dma_start3A_79, %dma_start3A_80] : memref<2x10000x128xf32, #tpu.memory_space<hbm>> -> memref<1x16x128xf32, #tpu.memory_space<hbm>>
        %dma_start3A_82 = tpu.memref_squeeze %dma_start3A_81 : memref<1x16x128xf32, #tpu.memory_space<hbm>> -> memref<16x128xf32, #tpu.memory_space<hbm>>
        %dma_start3A_83 = arith.constant 9984 : i32
        %dma_start3A_84 = arith.constant 0 : i32
        %dma_start3A_85 = tpu.memref_slice %arg26[%dma_start3A_83, %dma_start3A_84] : memref<10000x128xf32, #tpu.memory_space<vmem_shared>> -> memref<16x128xf32, #tpu.memory_space<vmem_shared>>
        tpu.enqueue_dma source(%dma_start3A_85 : memref<16x128xf32, #tpu.memory_space<vmem_shared>>) target(%dma_start3A_82 : memref<16x128xf32, #tpu.memory_space<hbm>>) target_semaphore(%run_scoped3A : memref<!tpu.dma_semaphore, #tpu.memory_space<semaphore_mem>>)
        %dma_wait3A = arith.constant 9984 : i32
        %dma_wait3A_86 = arith.constant 0 : i32
        %dma_wait3A_87 = tpu.memref_slice %arg10[%arg0, %dma_wait3A, %dma_wait3A_86] : memref<2x10000x128xf32, #tpu.memory_space<hbm>> -> memref<1x16x128xf32, #tpu.memory_space<hbm>>
        %dma_wait3A_88 = tpu.memref_squeeze %dma_wait3A_87 : memref<1x16x128xf32, #tpu.memory_space<hbm>> -> memref<16x128xf32, #tpu.memory_space<hbm>>
        %dma_wait3A_89 = arith.constant 9984 : i32
        %dma_wait3A_90 = arith.constant 0 : i32
        %dma_wait3A_91 = tpu.memref_slice %arg26[%dma_wait3A_89, %dma_wait3A_90] : memref<10000x128xf32, #tpu.memory_space<vmem_shared>> -> memref<16x128xf32, #tpu.memory_space<vmem_shared>>
        tpu.wait_dma2 semaphore(%run_scoped3A : memref<!tpu.dma_semaphore, #tpu.memory_space<semaphore_mem>>) src(%dma_wait3A_91 : memref<16x128xf32, #tpu.memory_space<vmem_shared>>) dst(%dma_wait3A_88 : memref<16x128xf32, #tpu.memory_space<hbm>>)
        tpu.yield
      }) : () -> ()
    } else {
    }
    return
  }
}

</mosaic_0001>

<sc_bundles>
// kernel: _edge_phase.3.cloned.1.call-start
scs
__scs_entry_jumppad:
0x0: {  	(pc) =	sbr.rel $0x88, $3  }
0x1: {  	(tag) =	ssettag $0x0;
	lr =	simm.s32 $0x1  }
0x2: {  	[smem:$0x3F99] =	sst lr;
	_ =	strace $0xD0000000  }
0x3: {  	_ = 	snop  }
0x4: {  	_ = 	snop  }
0x5: {  	_ = 	snop  }
0x6: {  	_ = 	snop  }
0x7: {  	_ = 	snop  }
__scs_overlays_trampoline_lowered:
0x8: {  	[smem:$0x3FA8] =	sst s0  }
0x9: {  	[smem:$0x3FA9] =	sst s1  }
0xa: {  	[smem:$0x3FAA] =	sst s2  }
0xb: {  	[smem:$0x3FAB] =	sst s3  }
0xc: {  	[smem:$0x3FAC] =	sst s4  }
0xd: {  	[smem:$0x3FAD] =	sst s5  }
0xe: {  	[smem:$0x3FAE] =	sst s6  }
0xf: {  	[smem:$0x3FAF] =	sst s7  }
0x10: {  	[smem:$0x3FB0] =	sst s8  }
0x11: {  	[smem:$0x3FB1] =	sst s9;
	s0 =	simm.s32 @!p0 $0x0  }
0x12: {  	s1 =	sld [smem:$0x3F97];
	s0 =	simm.s32 @p0 $0x1  }
0x13: {  	[smem:$0x3FB2] =	sst s0;
	s0 =	simm.s32 @!p1 $0x0  }
0x14: {  	s2 =	sld [smem:$0x3F96];
	s0 =	simm.s32 @p1 $0x1  }
0x15: {  	[smem:$0x3FB3] =	sst s0;
	s0 =	simm.s32 @!p2 $0x0  }
0x16: {  	s3 =	sld [smem:$0x3FDB];
	s0 =	simm.s32 @p2 $0x1  }
0x17: {  	s4 =	simm.s32 $0x1BF5;
	[smem:$0x3FB5] =	sst s0  }
0x18: {  	s0 =	sld [smem:$0x3F98];
	_ =	swait.ge [sflag:s4], $0x0  }
0x19: {  	s7 =	sld [smem:$0x3F99]  }
0x1a: {  	s8 =	sadd.s32 $0xFFFFE003, lr  }
0x1b: {  	s9 =	sadd.s32 $0xFFFFFEF7, lr;
	s5 =	simm.s32 $0xFFFFFFFF;
	p2 =	slt.u32 s8, $0xFFFFF086  }
0x1c: {  	p1 =	slt.u32 s9, $0xF7A;
	s5 =	simm.s32 @!p2 $0x0  }
0x1d: {  	s5 =	simm.s32 @p1 $0x1;
	p0 =	seq.s32 s7, s2  }
0x1e: {  	s7 =	smul.u32 @!p0 $0xF7A, s2;
	p2 =	seq.s32 @!p0 s5, $0x0  }
0x1f: {  	s9 =	smul.u32 $0xF7A, s1;
	s8 =	simm.s32 @!p0 $0x1BF5;
	p2 =	por !p2, p0  }
0x20: {  	[sflag:s8] =	ssyncset.s32 @!p0 $0xFFFFF086;
	s6 =	sadd.s32 @!p0 s3, s7;
	s7 =	simm.s32 @!p0 $0x108  }
0x21: {  	s3 =	sadd.s32 s3, s9;
	s6 =	sadd.s32 @!p0 $0x88, s6;
	s7 =	simm.s32 @p2 $0x1082  }
0x22: {  	[simem:s7], [sflag:s8] =	dma.local @!p0 [hbm:s6], $0xF7A  }
0x23: {  	s9 =	sor.u32 $0xD0000000, s2;
	s6 =	simm.s32 $0x108;
	_ =	swait.ge @!p0 [sflag:s8], $0x0  }
0x24: {  	s3 =	sadd.s32 $0x88, s3;
	s6 =	simm.s32 @!p1 $0x1082;
	[sflag:s4] =	ssyncset.s32 $0xFFFFF086  }
0x25: {  	[simem:s6], [sflag:s4] =	dma.local [hbm:s3], $0xF7A  }
0x26: {  	[smem:$0x3F99] =	sst s1;
	(tag) =	ssettag s2;
	_ =	strace s9  }
0x27: {  	s1 =	sld [smem:$0x3FA9]  }
0x28: {  	s2 =	sld [smem:$0x3FAA]  }
0x29: {  	s4 =	sld [smem:$0x3FAC]  }
0x2a: {  	p0 =	seq.s32 s5, $0x0;
	s5 =	sld [smem:$0x3FAD]  }
0x2b: {  	s6 =	sld [smem:$0x3FAE]  }
0x2c: {  	s7 =	sld [smem:$0x3FAF]  }
0x2d: {  	s3 =	simm.s32 $0x108;
	s8 =	sld [smem:$0x3FB0]  }
0x2e: {  	s3 =	simm.s32 @!p0 $0x1082;
	s9 =	sld [smem:$0x3FB1]  }
0x2f: {  	lr =	sadd.s32 s0, s3;
	s0 =	sld [smem:$0x3FA8]  }
0x30: {  	s3 =	sld [smem:$0x3FAB]  }
0x31: {  	[smem:$0x3FB4] =	sst s10  }
0x32: {  	s10 =	sld [smem:$0x3FB2];
	_ =	sdelay $0x3  }
0x33: {  	p0 =	seq.s32 s10, $0x1;
	s10 =	sld [smem:$0x3FB4];
	_ =	sdelay $0x3  }
0x34: {  	[smem:$0x3FB4] =	sst s10  }
0x35: {  	s10 =	sld [smem:$0x3FB3];
	_ =	sdelay $0x3  }
0x36: {  	p1 =	seq.s32 s10, $0x1;
	s10 =	sld [smem:$0x3FB4];
	_ =	sdelay $0x3  }
0x37: {  	[smem:$0x3FB4] =	sst s10  }
0x38: {  	s10 =	sld [smem:$0x3FB5]  }
0x39: {  	_ = 	snop;
	(pc) =	sbr.ind lr, $3  }
0x3a: {  	_ = 	snop  }
0x3b: {  	_ = 	snop  }
0x3c: {  	p2 =	seq.s32 s10, $0x1;
	s10 =	sld [smem:$0x3FB4]  }
0x3d: {  	_ =	shalt  }
0x3e: {  	_ =	shalt  }
0x3f: {  	_ =	shalt  }
0x40: {  	_ =	shalt  }
0x41: {  	_ =	shalt  }
0x42: {  	_ =	shalt  }
0x43: {  	_ =	shalt  }
0x44: {  	_ =	shalt  }
0x45: {  	_ =	shalt  }
0x46: {  	_ =	shalt  }
0x47: {  	_ =	shalt  }
0x48: {  	_ =	shalt  }
0x49: {  	_ =	shalt  }
0x4a: {  	_ =	shalt  }
0x4b: {  	_ =	shalt  }
0x4c: {  	_ =	shalt  }
0x4d: {  	_ =	shalt  }
0x4e: {  	_ =	shalt  }
0x4f: {  	_ =	shalt  }
0x50: {  	_ =	shalt  }
0x51: {  	_ =	shalt  }
0x52: {  	_ =	shalt  }
0x53: {  	_ =	shalt  }
0x54: {  	_ =	shalt  }
0x55: {  	_ =	shalt  }
0x56: {  	_ =	shalt  }
0x57: {  	_ =	shalt  }
0x58: {  	_ =	shalt  }
0x59: {  	_ =	shalt  }
0x5a: {  	_ =	shalt  }
0x5b: {  	_ =	shalt  }
0x5c: {  	_ =	shalt  }
0x5d: {  	_ =	shalt  }
0x5e: {  	_ =	shalt  }
0x5f: {  	_ =	shalt  }
0x60: {  	_ =	shalt  }
0x61: {  	_ =	shalt  }
0x62: {  	_ =	shalt  }
0x63: {  	_ =	shalt  }
0x64: {  	_ =	shalt  }
0x65: {  	_ =	shalt  }
0x66: {  	_ =	shalt  }
0x67: {  	_ =	shalt  }
0x68: {  	_ =	shalt  }
0x69: {  	_ =	shalt  }
0x6a: {  	_ =	shalt  }
0x6b: {  	_ =	shalt  }
0x6c: {  	_ =	shalt  }
0x6d: {  	_ =	shalt  }
0x6e: {  	_ =	shalt  }
0x6f: {  	_ =	shalt  }
0x70: {  	_ =	shalt  }
0x71: {  	_ =	shalt  }
0x72: {  	_ =	shalt  }
0x73: {  	_ =	shalt  }
0x74: {  	_ =	shalt  }
0x75: {  	_ =	shalt  }
0x76: {  	_ =	shalt  }
0x77: {  	_ =	shalt  }
0x78: {  	_ =	shalt  }
0x79: {  	_ =	shalt  }
0x7a: {  	_ =	shalt  }
0x7b: {  	_ =	shalt  }
0x7c: {  	_ =	shalt  }
0x7d: {  	_ =	shalt  }
0x7e: {  	_ =	shalt  }
0x7f: {  	_ =	shalt  }
0x80: {  	_ =	shalt  }
0x81: {  	_ =	shalt  }
0x82: {  	_ =	shalt  }
0x83: {  	_ =	shalt  }
0x84: {  	_ =	shalt  }
0x85: {  	_ =	shalt  }
0x86: {  	_ =	shalt  }
0x87: {  	_ =	shalt  }
.Lfunc_end0:
.L_simem_size_0:
called_computation_lowered:
.L_overlay_start_0:
0x88: {  	s2 =	sld [smem:$0x3FD9]  }
0x89: {  	s3 =	sld [smem:$0x3FFE];
	_ =	sdelay $0x1  }
0x8a: {  	s1 =	srdreg.scid  }
0x8b: {  	s0 =	sand.u32 $0x1, s1  }
0x8c: {  	s18 =	sshll.u32 s0, $0xA;
	s2 =	sadd.s32 s3, s2  }
0x8d: {  	s2 =	sadd.s32 s2, s18  }
0x8e: {  	[smem:$0x3FC0] =	sst s2  }
0x8f: {  	_ = 	snop  }
0x90: {  	s2 =	sld [smem:$0x3FC9]  }
0x91: {  	s19 =	sld [smem:$0x3FC8]  }
0x92: {  	s4 =	sld [smem:$0x3FC7]  }
0x93: {  	s5 =	sld [smem:$0x3FC6]  }
0x94: {  	s6 =	sld [smem:$0x3FC5]  }
0x95: {  	s7 =	sld [smem:$0x3FC4]  }
0x96: {  	s8 =	sld [smem:$0x3FC3]  }
0x97: {  	s9 =	sld [smem:$0x3FC2]  }
0x98: {  	s10 =	sld [smem:$0x3FD0];
	(tm) =	ssettm $0x1  }
0x99: {  	s11 =	sld [smem:$0x3FFB];
	_ =	sdelay $0x3  }
0x9a: {  	_ =	strace s11  }
0x9b: {  	s11 =	sld [smem:$0x3FFC];
	_ =	sdelay $0x3  }
0x9c: {  	_ =	strace s11  }
0x9d: {  	s11 =	sld [smem:$0x3FFD];
	_ =	sdelay $0x3  }
0x9e: {  	_ =	strace s11  }
0x9f: {  	_ =	strace $0x8FFFFFFF  }
0xa0: {  	s20 =	sld [smem:$0x3FDB];
	_ =	sdelay $0x1  }
0xa1: {  	s12 =	simm.s32 $_scs_section_size  }
0xa2: {  	s13 =	simm.s32 $_size__tile_overlayer_lowered;
	s14 =	simm.s32 $_tile_overlayer_lowered  }
0xa3: {  	s23 =	simm.s32 $0x1BFF;
	s22 =	sshll.u32 s14, $0x1;
	s11 =	sadd.s32 s12, s20  }
0xa4: {  	s15 =	simm.s32 $0x0;
	s21 =	sshll.u32 s13, $0x1;
	s13 =	sadd.s32 s22, s11  }
0xa5: {  	[timem:s15], [sflag:s23] =	dma.local [hbm:s13], s21  }
0xa6: {  	_ =	swait.ge [sflag:s23], s21  }
0xa7: {  	s12 =	ssub.s32 $0x0, s21;
	[sflag:s23] =	ssyncset.done $0x0  }
0xa8: {  	[sflag:s23] =	ssyncadd.s32 s12;
	_ =	sdelay $0x1  }
0xa9: {  	s24 =	simm.s32 $0x1B8B  }
0xaa: {  	_ =	swait.ge [sflag:s24], $0x1  }
0xab: {  	[sflag:s24] =	ssyncset.done $0x0  }
0xac: {  	s25 =	simm.s32 $0x1B8E;
	[sflag:s24] =	ssyncadd.s32 $0xFFFFFFFF  }
0xad: {  	s26 =	simm.s32 $execute0_lowered;
	[smem:$0x3FD2] =	sst s25  }
0xae: {  	s12 =	sshll.u32 s26, $0x1;
	_ =	strace $0x80000046;
	[dreg:$0x1] =	wrdreg $0xFFFFFFFF  }
0xaf: {  	s28 =	simm.s32 $_size_execute0_lowered;
	s11 =	sadd.s32 s11, s12;
	[dreg:$0x0] =	wrdreg $0x0  }
0xb0: {  	s12 =	sshll.u32 s28, $0x1;
	[dreg:$0x2] =	wrdreg s11  }
0xb1: {  	[dreg:$0x3] =	wrdreg s12  }
0xb2: {  	[dreg:$0x4] =	wrdreg $0xC0  }
0xb3: {  	_ =	task [dreg:s15], $0x5FFFF  }
0xb4: {  	[dreg:$0x1] =	wrdreg $0xFFFFFFFF  }
0xb5: {  	[dreg:$0x0] =	wrdreg $0x60  }
0xb6: {  	[dreg:$0x2] =	wrdreg s2  }
0xb7: {  	[dreg:$0x3] =	wrdreg s19  }
0xb8: {  	[dreg:$0x4] =	wrdreg s4  }
0xb9: {  	[dreg:$0x5] =	wrdreg s5  }
0xba: {  	[dreg:$0x6] =	wrdreg s6  }
0xbb: {  	[dreg:$0x7] =	wrdreg s7  }
0xbc: {  	[dreg:$0x8] =	wrdreg s8  }
0xbd: {  	[dreg:$0x9] =	wrdreg s9  }
0xbe: {  	[dreg:$0xa] =	wrdreg s10  }
0xbf: {  	[dreg:$0xb] =	wrdreg $0xAE000  }
0xc0: {  	[dreg:$0xc] =	wrdreg $0x9  }
0xc1: {  	_ =	task.clear_ibuf [dreg:s15], $0xDFFFF;
	_ =	strace $0x90000046  }
0xc2: {  	s29 =	simm.s32 $0x9;
	_ =	strace $0x80000048  }
0xc3: {  	_ =	swait.ge [sflag:s29], $0x1  }
0xc4: {  	[sflag:s29] =	ssyncadd.s32 $0xFFFFFFFF  }
0xc5: {  	_ =	strace $0x90000048  }
0xc6: {  	_ =	sfence  }
0xc7: {  	s30 =	sld [smem:$0x0];
	_ =	sdelay $0x2  }
0xc8: {  	s31 =	sshll.u32 s1, $0xD;
	s1 =	sshrl.u32 s1, $0x2  }
0xc9: {  	s3 =	sand.u32 $0x4000, s31;
	s1 =	sadd.s32 s1, s30  }
0xca: {  	s0 =	sor.u32 s3, s0;
	s1 =	sshll.u32 s1, $0x11  }
0xcb: {  	s0 =	sor.u32 s1, s0  }
0xcc: {  	s0 =	sadd.s32 $0x8F2B, s0  }
0xcd: {  	[sflag:s0] =	ssyncadd.remote.s32 $0x1  }
0xce: {  	_ =	sfence.sel $0xFFFF  }
0xcf: {  	[dreg:$0x0] =	wrdreg $0xFFFFFFFF;
	(pc) =	sbr.abs _section_cstart, $3  }
0xd0: {  	[dreg:$0x1] =	wrdreg $0xFFFFFFFF  }
0xd1: {  	_ =	task.clear_ibuf [dreg:s15], $0x2FFFF;
	_ =	strace $0x9FFFFFFF  }
0xd2: {  	(tm) =	ssettm $0x7FFFFFFF  }
0xd3: {  	_ =	shalt  }
tec
execute0_lowered:
.L_overlay_start_1:
0x0: {  	(tag) =	ssettag $0x1  }
0x1: {  	s0 =	rddreg [dreg:$0x0]  }
0x2: {  	s1 =	rddreg [dreg:$0x1]  }
0x3: {  	s2 =	rddreg [dreg:$0x2]  }
0x4: {  	s3 =	rddreg [dreg:$0x3]  }
0x5: {  	s4 =	rddreg [dreg:$0x4]  }
0x6: {  	s5 =	rddreg [dreg:$0x5]  }
0x7: {  	s6 =	srdreg.scid;
	s16 =	stileid.u32  }
0x8: {  	s9 =	rddreg [dreg:$0x8];
	s17 =	simm.s32 $0x7;
	s28 =	simm.s32 $0x4C00  }
0x9: {  	s29 =	simm.s32 $0x6C00;
	s31 =	simm.s32 $0x8C00;
	s30 =	simm.s32 $0x6  }
0xa: {  	s6 =	sand.u32 $0x1, s6;
	s7 =	sshll.u32 s16, $0x1;
	s11 =	smul.u32 $0x4E000, s16  }
0xb: {  	s14 =	smul.u32 $0x13800, s16;
	p0 =	sne.s32 s16, $0xF;
	s8 =	sor.u32 s6, s7  }
0xc: {  	s7 =	rddreg [dreg:$0x9];
	s12 =	ssub.s32 $0x2, s6;
	s6 =	smul.u32 $0x138800, s6  }
0xd: {  	s10 =	smul.u32 $0x278, s8;
	s8 =	simm.s32 $0x0;
	s13 =	sshrl.u32 s12, $0x1  }
0xe: {  	s21 =	sshrl.u32 s11, $0x2;
	s11 =	sadd.s32 $0x138000, s7;
	[smem:$0x7FF] =	sst s8  }
0xf: {  	s15 =	ssub.s32 s12, s13;
	s22 =	sadd.s32 s14, s6;
	s12 =	sadd.s32 s21, s7  }
0x10: {  	s24 =	sshrl.u32 s6, $0x3;
	s6 =	simm.s32 $0x1;
	s21 =	simm.s32 $0x9C00  }
0x11: {  	_ =	strace $0x80000047;
	s3 =	sadd.s32 s3, s10;
	s19 =	sadd.s32 s4, s10  }
0x12: {  	v0 =	vlaneseq.u32;
	s20 =	sadd.s32 s5, s10;
	s23 =	sshrl.u32 s22, $0x3;
	[dreg:$0xe] =	wrdreg s11  }
0x13: {  	v0 =	vmul.u32 $0x80, v0;
	s25 =	sadd.s32 s9, s24;
	s26 =	smax.u32 s15, $0x1;
	[dreg:$0xb] =	wrdreg s3  }
0x14: {  	v1 =	vimm.f32 $0.0e+00;
	s22 =	simm.s32 $0xA600;
	s24 =	simm.s32 $0x3C00;
	[dreg:$0xc] =	wrdreg s19  }
.Ltmp0:
0x15: {  	v2 =	vor.u32 $0x1, v0;
	v3 =	vor.u32 $0x2, v0;
	v4 =	vor.u32 $0x3, v0;
	s4 =	simm.s32 $0x2;
	[dreg:$0xd] =	wrdreg s20;
	(pc) =	sbr.rel .LBB2_1-.Ltmp0, $4  }
0x16: {  	v5 =	vor.u32 $0x4, v0;
	v6 =	vor.u32 $0x5, v0;
	v7 =	vor.u32 $0x6, v0;
	s5 =	simm.s32 $0x3;
	s3 =	sadd.s32 s9, s23;
	[dreg:$0x11] =	wrdreg s26  }
0x17: {  	v8 =	vor.u32 $0x7, v0;
	v9 =	vor.u32 $0x8, v0;
	v10 =	vor.u32 $0x9, v0;
	s23 =	simm.s32 $0x20;
	s19 =	simm.s32 $0x9D00;
	s20 =	simm.s32 $0x9C80  }
0x18: {  	v11 =	vor.u32 $0xA, v0;
	v12 =	vor.u32 $0xB, v0;
	v13 =	vor.u32 $0xC, v0;
	s26 =	simm.s32 $0x5;
	[dreg:$0xf] =	wrdreg s3;
	s3 =	sadd.s32 $0x27000, s25  }
0x19: {  	v14 =	vor.u32 $0xD, v0;
	v15 =	vor.u32 $0xE, v0;
	v16 =	vor.u32 $0xF, v0;
	s25 =	simm.s32 $0x4;
	[dreg:$0x10] =	wrdreg s3;
	s3 =	simm.s32 $0x0  }
.LBB2_20:
0x1a: {  	s9 =	stileid.u32  }
0x1b: {  	[bflag:$0x0] =	sbarrier.arrive $0xFFFF;
	s9 =	sshll.u32 s9, $0x6  }
0x1c: {  	s10 =	sshrl.u32 s12, $0x3;
	s11 =	rddreg [dreg:$0xf];
	s9 =	sor.u32 $0x1C07, s9  }
0x1d: {  	[hbm:s11], [sflag:s9] =	dma.local [spmem:s10], $0x2700  }
0x1e: {  	_ =	swait.ge [sflag:s17], $0x2700  }
0x1f: {  	[sflag:s17] =	ssyncset.done $0x0;
	s11 =	rddreg [dreg:$0xe]  }
0x20: {  	s13 =	rddreg [dreg:$0x10];
	[sflag:s17] =	ssyncadd.s32 $0xFFFFD900;
	s10 =	sshrl.u32 @!p0 s11, $0x3  }
0x21: {  	[hbm:s13], [sflag:s9] =	dma.local @!p0 [spmem:s10], $0x100  }
0x22: {  	s9 =	simm.s32 @!p0 $0x7  }
0x23: {  	_ =	swait.ge @!p0 [sflag:s9], $0x100  }
0x24: {  	s3 =	sadd.s32 $0x1, s3;
	s18 =	rddreg [dreg:$0x11]  }
0x25: {  	p1 =	sne.s32 s3, s18  }
.Ltmp1:
0x26: {  	_ = 	snop;
	(pc) =	sbr.rel @!p1 .LBB2_21-.Ltmp1, $3  }
0x27: {  	_ =	sdelay $0x1  }
0x28: {  	[sflag:s9] =	ssyncset.done @!p0 $0x0  }
0x29: {  	[sflag:s9] =	ssyncadd.s32 @!p0 $0xFFFFFF00  }
.LBB2_1:
0x2a: {  	s9 =	rddreg [dreg:$0xb]  }
0x2b: {  	[tilespmem:s8], [sflag:$0x7] =	stream.linear.gather [hbm4b:s9+s8], $0x13C0, $0x38;
	[tilespmem:$0x1E680] =	vst v63  }
0x2c: {  	_ =	swait.ge [sflag:s17], $0x13C0  }
0x2d: {  	[sflag:s17] =	ssyncset.done $0x0  }
0x2e: {  	s10 =	simm.s32 $0x1400;
	s18 =	rddreg [dreg:$0xc];
	[sflag:s17] =	ssyncadd.s32 $0xFFFFEC40  }
0x2f: {  	[tilespmem:s10], [sflag:$0x7] =	stream.linear.gather [hbm4b:s18+s8], $0x13C0, $0x38;
	[tilespmem:$0x1E680] =	vst v63  }
0x30: {  	_ =	swait.ge [sflag:s17], $0x13C0  }
0x31: {  	[sflag:s17] =	ssyncset.done $0x0  }
0x32: {  	s13 =	simm.s32 $0x2800;
	s10 =	rddreg [dreg:$0xd];
	[sflag:s17] =	ssyncadd.s32 $0xFFFFEC40  }
0x33: {  	[tilespmem:s13], [sflag:$0x7] =	stream.linear.gather [hbm4b:s10+s8], $0x13C0, $0x38;
	[tilespmem:$0x1E680] =	vst v63  }
0x34: {  	_ =	swait.ge [sflag:s17], $0x13C0  }
0x35: {  	[sflag:s17] =	ssyncset.done $0x0  }
0x36: {  	[sflag:s17] =	ssyncadd.s32 $0xFFFFEC40  }
0x37: {  	s15 =	simm.s32 $0xA500;
	s14 =	rddreg [dreg:$0x6]  }
0x38: {  	[tilespmem:s15], [sflag:$0x7] =	stream.linear.gather [hbm4b:s14+s8], $0x80, $0x38;
	[tilespmem:$0x1E680] =	vst v63  }
0x39: {  	_ =	swait.ge [sflag:s17], $0x80  }
0x3a: {  	[sflag:s17] =	ssyncset.done $0x0  }
0x3b: {  	[sflag:s17] =	ssyncadd.s32 $0xFFFFFF80  }
0x3c: {  	s18 =	simm.s32 $0xA580;
	s16 =	rddreg [dreg:$0x7]  }
0x3d: {  	[tilespmem:s18], [sflag:$0x7] =	stream.linear.gather [hbm4b:s16+s8], $0x80, $0x38;
	[tilespmem:$0x1E680] =	vst v63  }
0x3e: {  	_ =	swait.ge [sflag:s17], $0x80  }
0x3f: {  	[sflag:s17] =	ssyncset.done $0x0  }
0x40: {  	s9 =	simm.s32 $0x0;
	s10 =	simm.s32 $0x200;
	[sflag:s17] =	ssyncadd.s32 $0xFFFFFF80  }
.LBB2_2:
0x41: {  	p1 =	sne.s32 s10, $0x1E00;
	[tilespmem:s9+$0xA670] =	vst v1  }
0x42: {  	[tilespmem:s9+$0xA600] =	vst v1  }
0x43: {  	[tilespmem:s9+$0xA610] =	vst v1  }
.Ltmp2:
0x44: {  	[tilespmem:s9+$0xA620] =	vst v1;
	(pc) =	sbr.rel @p1 .LBB2_2-.Ltmp2, $4  }
0x45: {  	[tilespmem:s9+$0xA630] =	vst v1  }
0x46: {  	[tilespmem:s9+$0xA640] =	vst v1  }
0x47: {  	[tilespmem:s9+$0xA650] =	vst v1  }
0x48: {  	[tilespmem:s9+$0xA660] =	vst v1;
	s9 =	sshra.s32 s10, $0x2;
	s10 =	sadd.s32 $0x200, s10  }
0x49: {  	[tilespmem:s9+$0xA670] =	vst v1  }
0x4a: {  	[tilespmem:s9+$0xA600] =	vst v1  }
0x4b: {  	[tilespmem:s9+$0xA610] =	vst v1  }
0x4c: {  	[tilespmem:s9+$0xA620] =	vst v1  }
0x4d: {  	[tilespmem:s9+$0xA630] =	vst v1  }
0x4e: {  	[tilespmem:s9+$0xA640] =	vst v1  }
0x4f: {  	[tilespmem:s9+$0xA650] =	vst v1  }
0x50: {  	[tilespmem:s9+$0xA660] =	vst v1;
	s18 =	sadd.s32 $0x0, s12  }
0x51: {  	[spmem:s18] =	stream.linear.scatter [tilespmem:s22], [sflag:$0x7], $0x800, $0x38;
	[tilespmem:$0x1E680] =	vst v63  }
0x52: {  	s9 =	simm.s32 $0x2000;
	_ =	swait.ge [sflag:s17], $0x800  }
.LBB2_4:
0x53: {  	s10 =	sshra.s32 s9, $0x2;
	[sflag:s17] =	ssyncset.done $0x0;
	p1 =	sne.s32 s9, $0x4C000  }
.Ltmp3:
0x54: {  	s10 =	sadd.s32 s10, s12;
	[sflag:s17] =	ssyncadd.s32 $0xFFFFF800;
	(pc) =	sbr.rel @p1 .LBB2_4-.Ltmp3, $3  }
0x55: {  	[spmem:s10] =	stream.linear.scatter [tilespmem:s22], [sflag:$0x7], $0x800, $0x38;
	[tilespmem:$0x1E680] =	vst v63  }
0x56: {  	s9 =	sadd.s32 $0x2000, s9;
	_ =	sdelay $0x1  }
0x57: {  	_ =	swait.ge [sflag:s17], $0x800  }
0x58: {  	[sflag:s17] =	ssyncset.done $0x0  }
0x59: {  	s9 =	simm.s32 @!p0 $0xA600;
	[sflag:s17] =	ssyncadd.s32 $0xFFFFF800  }
0x5a: {  	[spmem:s11] =	stream.linear.scatter @!p0 [tilespmem:s9], [sflag:$0x7], $0x800, $0x38;
	[tilespmem:$0x1E680] =	vst v63  }
0x5b: {  	s9 =	simm.s32 @!p0 $0x7  }
0x5c: {  	_ =	swait.ge @!p0 [sflag:s9], $0x800  }
0x5d: {  	[sflag:s9] =	ssyncset.done @!p0 $0x0  }
0x5e: {  	[sflag:s9] =	ssyncadd.s32 @!p0 $0xFFFFF800  }
0x5f: {  	[bflag:$0x0] =	sbarrier.arrive $0xFFFF  }
0x60: {  	v17 =	vld [tilespmem:$0xA500]  }
0x61: {  	v18 =	vld [tilespmem:$0xA510]  }
0x62: {  	v19 =	vld [tilespmem:$0xA520]  }
0x63: {  	v20 =	vld [tilespmem:$0xA530]  }
0x64: {  	v21 =	vld [tilespmem:$0xA540]  }
0x65: {  	v22 =	vld [tilespmem:$0xA550]  }
0x66: {  	v23 =	vld [tilespmem:$0xA560]  }
0x67: {  	s18 =	simm.s32 $0x0;
	v24 =	vld [tilespmem:$0xA570]  }
0x68: {  	v25 =	vld [tilespmem:$0xA580];
	[tilespmem:s24], [sflag:$0x1] =	stream.indirect.gather [hbm4b:s0+s23], $0x80, s18, s23, $0xb8  }
0x69: {  	s14 =	simm.s32 $0x5C00  }
0x6a: {  	[tilespmem:s14], [sflag:$0x2] =	stream.indirect.gather [hbm4b:s1+s23], $0x80, s18, s23, $0xb8;
	[tilespmem:$0x1E680] =	vst v63  }
0x6b: {  	s15 =	simm.s32 $0x1400;
	s10 =	simm.s32 $0x7C00  }
0x6c: {  	[tilespmem:s10], [sflag:$0x3] =	stream.indirect.gather [hbm4b:s2+s23], $0x80, s15, s23, $0xb8;
	[tilespmem:$0x1E680] =	vst v63  }
0x6d: {  	_ = 	snop  }
0x6e: {  	[tilespmem:s28], [sflag:$0x4] =	stream.indirect.gather [hbm4b:s0+s23], $0x80, s23, s23, $0xb8;
	[tilespmem:$0x1E680] =	vst v63  }
0x6f: {  	_ = 	snop  }
0x70: {  	[tilespmem:s29], [sflag:$0x5] =	stream.indirect.gather [hbm4b:s1+s23], $0x80, s23, s23, $0xb8;
	[tilespmem:$0x1E680] =	vst v63  }
0x71: {  	s16 =	simm.s32 $0x1420  }
0x72: {  	[tilespmem:s31], [sflag:$0x6] =	stream.indirect.gather [hbm4b:s2+s23], $0x80, s16, s23, $0xb8;
	[tilespmem:$0x1E680] =	vst v63  }
.LBB2_6:
0x73: {  	_ =	swait.ge [sflag:s6], $0x1000  }
0x74: {  	[sflag:s6] =	ssyncset.done $0x0  }
0x75: {  	[sflag:s6] =	ssyncadd.s32 $0xFFFFF000  }
0x76: {  	_ =	swait.ge [sflag:s4], $0x1000  }
0x77: {  	[sflag:s4] =	ssyncset.done $0x0  }
0x78: {  	[sflag:s4] =	ssyncadd.s32 $0xFFFFF000  }
0x79: {  	_ =	swait.ge [sflag:s5], $0x1000  }
0x7a: {  	[sflag:s5] =	ssyncset.done $0x0  }
0x7b: {  	s9 =	simm.s32 $0x0;
	[sflag:s5] =	ssyncadd.s32 $0xFFFFF000  }
0x7c: {  	v26 =	vld [tilespmem:s9+$0x5C00]  }
0x7d: {  	v27 =	vld [tilespmem:s9+$0x7C00]  }
0x7e: {  	v28 =	vld [tilespmem:s9+$0x5C10]  }
0x7f: {  	v29 =	vld [tilespmem:s9+$0x7C10]  }
0x80: {  	v30 =	vld [tilespmem:s9+$0x5C20]  }
0x81: {  	v31 =	vld [tilespmem:s9+$0x7C20]  }
0x82: {  	v32 =	vld [tilespmem:s9+$0x7C30];
	v26 =	vadd.f32 v27, v26  }
0x83: {  	v27 =	vld [tilespmem:s9+$0x5C30]  }
0x84: {  	v33 =	vld [tilespmem:s9+$0x5C40];
	v28 =	vadd.f32 v29, v28;
	v26 =	vmax.f32 v26, $0.0e+00  }
0x85: {  	v34 =	vld [tilespmem:s9+$0x7C40];
	v26 =	vmul.f32 v26, v17  }
0x86: {  	v35 =	vld [tilespmem:s9+$0x5C50];
	v29 =	vadd.f32 v31, v30;
	v28 =	vmax.f32 v28, $0.0e+00  }
0x87: {  	v36 =	vld [tilespmem:s9+$0x7C50];
	v28 =	vmul.f32 v28, v18;
	v30 =	vadd.f32 $0.0e+00, v26  }
0x88: {  	v29 =	vmax.f32 v29, $0.0e+00;
	v26 =	vld [tilespmem:s9+$0x5C60];
	v31 =	vadd.f32 v32, v27  }
0x89: {  	v28 =	vadd.f32 v28, v30;
	v30 =	vmul.f32 v29, v19;
	v29 =	vld [tilespmem:s9+$0x7C60]  }
0x8a: {  	v33 =	vadd.f32 v34, v33;
	v27 =	vld [tilespmem:s9+$0x5C70];
	v32 =	vmax.f32 v31, $0.0e+00  }
0x8b: {  	s10 =	simm.s32 $0x80;
	v32 =	vmul.f32 v32, v20;
	v31 =	vadd.f32 v30, v28;
	v30 =	vld [tilespmem:s9+$0x7C70]  }
0x8c: {  	s11 =	simm.s32 $0x400;
	v34 =	vmax.f32 v33, $0.0e+00;
	v33 =	vadd.f32 v36, v35;
	v28 =	vld [tilespmem:s10+$0x5C00]  }
.LBB2_7:
0x8d: {  	p1 =	sne.s32 s11, $0x1E00;
	v35 =	vld [tilespmem:s10+$0x7C00];
	v31 =	vadd.f32 v32, v31;
	v32 =	vmul.f32 v34, v21  }
0x8e: {  	v34 =	vld [tilespmem:s10+$0x5C10];
	v33 =	vmax.f32 v33, $0.0e+00;
	v26 =	vadd.f32 v29, v26  }
0x8f: {  	v29 =	vld [tilespmem:s10+$0x7C10];
	v31 =	vadd.f32 v32, v31;
	v32 =	vmul.f32 v33, v22  }
0x90: {  	v33 =	vld [tilespmem:s10+$0x5C20];
	v26 =	vmax.f32 v26, $0.0e+00;
	v27 =	vadd.f32 v30, v27  }
0x91: {  	v30 =	vld [tilespmem:s10+$0x7C20];
	v31 =	vadd.f32 v32, v31;
	v26 =	vmul.f32 v26, v23  }
0x92: {  	v28 =	vadd.f32 v35, v28;
	v32 =	vld [tilespmem:s10+$0x5C30];
	v27 =	vmax.f32 v27, $0.0e+00  }
0x93: {  	v35 =	vld [tilespmem:s10+$0x7C30];
	v26 =	vadd.f32 v26, v31;
	v27 =	vmul.f32 v27, v24  }
0x94: {  	v28 =	vmax.f32 v28, $0.0e+00;
	v29 =	vadd.f32 v29, v34;
	v31 =	vld [tilespmem:s10+$0x5C40]  }
0x95: {  	v28 =	vmul.f32 v28, v17;
	v34 =	vld [tilespmem:s10+$0x7C40];
	v26 =	vadd.f32 v27, v26  }
0x96: {  	v27 =	vmax.f32 v29, $0.0e+00;
	v29 =	vadd.f32 v30, v33;
	v33 =	vld [tilespmem:s10+$0x5C50]  }
0x97: {  	v28 =	vadd.f32 $0.0e+00, v28;
	v27 =	vmul.f32 v27, v18;
	v36 =	vld [tilespmem:s10+$0x7C50];
	[tilespmem:s9+$0x9D00] =	vst v26;
	s9 =	smov.u32 s10  }
.Ltmp4:
0x98: {  	v29 =	vmax.f32 v29, $0.0e+00;
	v30 =	vadd.f32 v35, v32;
	v26 =	vld [tilespmem:s9+$0x5C60];
	(pc) =	sbr.rel @p1 .LBB2_7-.Ltmp4, $4  }
0x99: {  	v28 =	vadd.f32 v27, v28;
	v32 =	vmul.f32 v29, v19;
	v29 =	vld [tilespmem:s9+$0x7C60]  }
0x9a: {  	v30 =	vmax.f32 v30, $0.0e+00;
	v34 =	vadd.f32 v34, v31;
	v27 =	vld [tilespmem:s9+$0x5C70]  }
0x9b: {  	s10 =	sshra.s32 s11, $0x2;
	v31 =	vadd.f32 v32, v28;
	v32 =	vmul.f32 v30, v20;
	v30 =	vld [tilespmem:s9+$0x7C70]  }
0x9c: {  	s11 =	sadd.s32 $0x200, s11;
	v28 =	vld [tilespmem:s10+$0x5C00];
	v34 =	vmax.f32 v34, $0.0e+00;
	v33 =	vadd.f32 v36, v33  }
0x9d: {  	v35 =	vld [tilespmem:s10+$0x7C00];
	v31 =	vadd.f32 v32, v31;
	v50 =	vmul.f32 v34, v21  }
0x9e: {  	v51 =	vld [tilespmem:s10+$0x5C10];
	v33 =	vmax.f32 v33, $0.0e+00;
	v26 =	vadd.f32 v29, v26  }
0x9f: {  	v29 =	vld [tilespmem:s10+$0x7C10];
	v31 =	vadd.f32 v50, v31;
	v52 =	vmul.f32 v33, v22  }
0xa0: {  	v53 =	vld [tilespmem:s10+$0x5C20];
	v26 =	vmax.f32 v26, $0.0e+00;
	v27 =	vadd.f32 v30, v27  }
0xa1: {  	v30 =	vld [tilespmem:s10+$0x7C20];
	v31 =	vadd.f32 v52, v31;
	v26 =	vmul.f32 v26, v23  }
0xa2: {  	v54 =	vld [tilespmem:s10+$0x5C30];
	v28 =	vadd.f32 v35, v28;
	v27 =	vmax.f32 v27, $0.0e+00  }
0xa3: {  	v55 =	vld [tilespmem:s10+$0x7C30];
	v26 =	vadd.f32 v26, v31;
	v27 =	vmul.f32 v27, v24  }
0xa4: {  	v56 =	vld [tilespmem:s10+$0x7C40];
	v29 =	vadd.f32 v29, v51;
	v28 =	vmax.f32 v28, $0.0e+00  }
0xa5: {  	v31 =	vld [tilespmem:s10+$0x5C40];
	v28 =	vmul.f32 v28, v17;
	v26 =	vadd.f32 v27, v26  }
0xa6: {  	v57 =	vld [tilespmem:s10+$0x7C50];
	v29 =	vmax.f32 v29, $0.0e+00;
	v30 =	vadd.f32 v30, v53  }
0xa7: {  	v27 =	vld [tilespmem:s10+$0x5C50];
	v29 =	vmul.f32 v29, v18;
	v28 =	vadd.f32 $0.0e+00, v28;
	[tilespmem:s9+$0x9D00] =	vst v26  }
0xa8: {  	v26 =	vmax.f32 v30, $0.0e+00;
	v30 =	vadd.f32 v55, v54;
	v58 =	vld [tilespmem:s10+$0x5C60]  }
0xa9: {  	v26 =	vmul.f32 v26, v19;
	v28 =	vadd.f32 v29, v28;
	v29 =	vld [tilespmem:s10+$0x7C60]  }
0xaa: {  	v31 =	vadd.f32 v56, v31;
	v59 =	vld [tilespmem:s10+$0x5C70];
	v30 =	vmax.f32 v30, $0.0e+00  }
0xab: {  	v26 =	vadd.f32 v26, v28;
	v28 =	vmul.f32 v30, v20;
	v30 =	vld [tilespmem:s10+$0x7C70]  }
0xac: {  	v31 =	vmax.f32 v31, $0.0e+00;
	v27 =	vadd.f32 v57, v27  }
0xad: {  	v26 =	vadd.f32 v28, v26;
	v28 =	vmul.f32 v31, v21  }
0xae: {  	v27 =	vmax.f32 v27, $0.0e+00;
	v29 =	vadd.f32 v29, v58  }
0xaf: {  	v27 =	vmul.f32 v27, v22;
	v26 =	vadd.f32 v28, v26  }
0xb0: {  	v28 =	vmax.f32 v29, $0.0e+00;
	v29 =	vadd.f32 v30, v59  }
0xb1: {  	v26 =	vadd.f32 v27, v26;
	v27 =	vmul.f32 v28, v23  }
0xb2: {  	v28 =	vmax.f32 v29, $0.0e+00  }
0xb3: {  	v26 =	vadd.f32 v27, v26;
	v27 =	vmul.f32 v28, v24;
	_ =	sdelay $0x1  }
0xb4: {  	v26 =	vadd.f32 v27, v26;
	_ =	sdelay $0x1  }
0xb5: {  	[tilespmem:s10+$0x9D00] =	vst v26  }
0xb6: {  	v26 =	vld.idx.msk [tilespmem:v0+s19+$0x0], $0xffff;
	_ =	sdelay $0x1  }
0xb7: {  	v27 =	vld.idx.msk [tilespmem:v2+s19+$0x0], $0xffff;
	_ =	sdelay $0x1  }
0xb8: {  	v28 =	vld.idx.msk [tilespmem:v3+s19+$0x0], $0xffff  }
0xb9: {  	v26 =	vadd.f32 $0.0e+00, v26  }
0xba: {  	v29 =	vld.idx.msk [tilespmem:v4+s19+$0x0], $0xffff  }
0xbb: {  	v26 =	vadd.f32 v27, v26  }
0xbc: {  	v27 =	vld.idx.msk [tilespmem:v5+s19+$0x0], $0xffff  }
0xbd: {  	v26 =	vadd.f32 v28, v26  }
0xbe: {  	v28 =	vld.idx.msk [tilespmem:v6+s19+$0x0], $0xffff  }
0xbf: {  	v26 =	vadd.f32 v29, v26  }
0xc0: {  	v29 =	vld.idx.msk [tilespmem:v7+s19+$0x0], $0xffff  }
0xc1: {  	v26 =	vadd.f32 v27, v26  }
0xc2: {  	v27 =	vld.idx.msk [tilespmem:v8+s19+$0x0], $0xffff  }
0xc3: {  	v26 =	vadd.f32 v28, v26  }
0xc4: {  	v28 =	vld.idx.msk [tilespmem:v9+s19+$0x0], $0xffff  }
0xc5: {  	v26 =	vadd.f32 v29, v26  }
0xc6: {  	v29 =	vld.idx.msk [tilespmem:v10+s19+$0x0], $0xffff  }
0xc7: {  	v26 =	vadd.f32 v27, v26  }
0xc8: {  	v27 =	vld.idx.msk [tilespmem:v11+s19+$0x0], $0xffff  }
0xc9: {  	v26 =	vadd.f32 v28, v26  }
0xca: {  	v28 =	vld.idx.msk [tilespmem:v12+s19+$0x0], $0xffff  }
0xcb: {  	v26 =	vadd.f32 v29, v26  }
0xcc: {  	v29 =	vld.idx.msk [tilespmem:v13+s19+$0x0], $0xffff  }
0xcd: {  	v26 =	vadd.f32 v27, v26  }
0xce: {  	v27 =	vld.idx.msk [tilespmem:v14+s19+$0x0], $0xffff  }
0xcf: {  	v26 =	vadd.f32 v28, v26  }
0xd0: {  	v28 =	vld.idx.msk [tilespmem:v15+s19+$0x0], $0xffff  }
0xd1: {  	v26 =	vadd.f32 v29, v26  }
0xd2: {  	v29 =	vld.idx.msk [tilespmem:v16+s19+$0x0], $0xffff  }
0xd3: {  	v26 =	vadd.f32 v27, v26;
	_ =	sdelay $0x1  }
0xd4: {  	v26 =	vadd.f32 v28, v26;
	_ =	sdelay $0x1  }
0xd5: {  	v26 =	vadd.f32 v29, v26;
	_ =	sdelay $0x1  }
0xd6: {  	v26 =	vadd.f32 v26, v25;
	_ =	sdelay $0x1  }
0xd7: {  	v26 =	vsub.f32 $0.0e+00, v26;
	_ =	sdelay $0x1  }
0xd8: {  	v26 =	vmul.f32 $1.442695020e+00, v26;
	_ =	sdelay $0x1  }
0xd9: {  	(erf) = vpow2.f32 v26;
	_ =	sdelay $0x8  }
0xda: {  	v26 =	vpop (erf)  }
0xdb: {  	v26 =	vadd.f32 $1.000000000e+00, v26;
	_ =	sdelay $0x1  }
0xdc: {  	(erf) = vrcp.f32 v26;
	_ =	sdelay $0x3  }
0xdd: {  	s9 =	sshll.u32 s18, $0x6  }
0xde: {  	v26 =	vld [tilespmem:s9+$0x2800];
	_ =	sdelay $0x3  }
0xdf: {  	v27 =	vpop (erf)  }
0xe0: {  	v26 =	vmul.f32 v27, v26;
	_ =	sdelay $0x1  }
0xe1: {  	s10 =	simm.s32 $0x0;
	[tilespmem:$0x9C80] =	vst v26  }
0xe2: {  	v26 =	vld [tilespmem:s10+$0x6400]  }
0xe3: {  	v27 =	vld [tilespmem:s10+$0x8400]  }
0xe4: {  	v28 =	vld [tilespmem:s10+$0x6410]  }
0xe5: {  	v29 =	vld [tilespmem:s10+$0x8410]  }
0xe6: {  	v30 =	vld [tilespmem:s10+$0x6420]  }
0xe7: {  	v31 =	vld [tilespmem:s10+$0x8420]  }
0xe8: {  	v60 =	vld [tilespmem:s10+$0x8430];
	v26 =	vadd.f32 v27, v26  }
0xe9: {  	v27 =	vld [tilespmem:s10+$0x6430]  }
0xea: {  	v61 =	vld [tilespmem:s10+$0x6440];
	v28 =	vadd.f32 v29, v28;
	v26 =	vmax.f32 v26, $0.0e+00  }
0xeb: {  	v62 =	vld [tilespmem:s10+$0x8440];
	v26 =	vmul.f32 v26, v17  }
0xec: {  	v63 =	vld [tilespmem:s10+$0x6450];
	v29 =	vadd.f32 v31, v30;
	v28 =	vmax.f32 v28, $0.0e+00  }
0xed: {  	v36 =	vld [tilespmem:s10+$0x8450];
	v28 =	vmul.f32 v28, v18;
	v30 =	vadd.f32 $0.0e+00, v26  }
0xee: {  	v29 =	vmax.f32 v29, $0.0e+00;
	v26 =	vld [tilespmem:s10+$0x6460];
	v31 =	vadd.f32 v60, v27  }
0xef: {  	v28 =	vadd.f32 v28, v30;
	v30 =	vmul.f32 v29, v19;
	v29 =	vld [tilespmem:s10+$0x8460]  }
0xf0: {  	v33 =	vadd.f32 v62, v61;
	v27 =	vld [tilespmem:s10+$0x6470];
	v32 =	vmax.f32 v31, $0.0e+00  }
0xf1: {  	s11 =	simm.s32 $0x80;
	v32 =	vmul.f32 v32, v20;
	v31 =	vadd.f32 v30, v28;
	v30 =	vld [tilespmem:s10+$0x8470]  }
0xf2: {  	s14 =	simm.s32 $0x400;
	v34 =	vmax.f32 v33, $0.0e+00;
	v33 =	vadd.f32 v36, v63;
	v28 =	vld [tilespmem:s11+$0x6400]  }
.LBB2_9:
0xf3: {  	p1 =	sne.s32 s14, $0x1E00;
	v35 =	vld [tilespmem:s11+$0x8400];
	v31 =	vadd.f32 v32, v31;
	v32 =	vmul.f32 v34, v21  }
0xf4: {  	v34 =	vld [tilespmem:s11+$0x6410];
	v33 =	vmax.f32 v33, $0.0e+00;
	v26 =	vadd.f32 v29, v26  }
0xf5: {  	v29 =	vld [tilespmem:s11+$0x8410];
	v31 =	vadd.f32 v32, v31;
	v32 =	vmul.f32 v33, v22  }
0xf6: {  	v33 =	vld [tilespmem:s11+$0x6420];
	v26 =	vmax.f32 v26, $0.0e+00;
	v27 =	vadd.f32 v30, v27  }
0xf7: {  	v30 =	vld [tilespmem:s11+$0x8420];
	v31 =	vadd.f32 v32, v31;
	v26 =	vmul.f32 v26, v23  }
0xf8: {  	v28 =	vadd.f32 v35, v28;
	v32 =	vld [tilespmem:s11+$0x6430];
	v27 =	vmax.f32 v27, $0.0e+00  }
0xf9: {  	v35 =	vld [tilespmem:s11+$0x8430];
	v26 =	vadd.f32 v26, v31;
	v27 =	vmul.f32 v27, v24  }
0xfa: {  	v28 =	vmax.f32 v28, $0.0e+00;
	v29 =	vadd.f32 v29, v34;
	v31 =	vld [tilespmem:s11+$0x6440]  }
0xfb: {  	v28 =	vmul.f32 v28, v17;
	v34 =	vld [tilespmem:s11+$0x8440];
	v26 =	vadd.f32 v27, v26  }
0xfc: {  	v27 =	vmax.f32 v29, $0.0e+00;
	v29 =	vadd.f32 v30, v33;
	v33 =	vld [tilespmem:s11+$0x6450]  }
0xfd: {  	v28 =	vadd.f32 $0.0e+00, v28;
	v27 =	vmul.f32 v27, v18;
	v36 =	vld [tilespmem:s11+$0x8450];
	[tilespmem:s10+$0x9D00] =	vst v26;
	s10 =	smov.u32 s11  }
.Ltmp5:
0xfe: {  	v29 =	vmax.f32 v29, $0.0e+00;
	v30 =	vadd.f32 v35, v32;
	v26 =	vld [tilespmem:s10+$0x6460];
	(pc) =	sbr.rel @p1 .LBB2_9-.Ltmp5, $4  }
0xff: {  	v28 =	vadd.f32 v27, v28;
	v32 =	vmul.f32 v29, v19;
	v29 =	vld [tilespmem:s10+$0x8460]  }
0x100: {  	v30 =	vmax.f32 v30, $0.0e+00;
	v34 =	vadd.f32 v34, v31;
	v27 =	vld [tilespmem:s10+$0x6470]  }
0x101: {  	s11 =	sshra.s32 s14, $0x2;
	v31 =	vadd.f32 v32, v28;
	v32 =	vmul.f32 v30, v20;
	v30 =	vld [tilespmem:s10+$0x8470]  }
0x102: {  	s14 =	sadd.s32 $0x200, s14;
	v28 =	vld [tilespmem:s11+$0x6400];
	v34 =	vmax.f32 v34, $0.0e+00;
	v33 =	vadd.f32 v36, v33  }
0x103: {  	v35 =	vld [tilespmem:s11+$0x8400];
	v31 =	vadd.f32 v32, v31;
	v52 =	vmul.f32 v34, v21  }
0x104: {  	v53 =	vld [tilespmem:s11+$0x6410];
	v33 =	vmax.f32 v33, $0.0e+00;
	v26 =	vadd.f32 v29, v26  }
0x105: {  	v29 =	vld [tilespmem:s11+$0x8410];
	v31 =	vadd.f32 v52, v31;
	v54 =	vmul.f32 v33, v22  }
0x106: {  	v55 =	vld [tilespmem:s11+$0x6420];
	v26 =	vmax.f32 v26, $0.0e+00;
	v27 =	vadd.f32 v30, v27  }
0x107: {  	v30 =	vld [tilespmem:s11+$0x8420];
	v31 =	vadd.f32 v54, v31;
	v26 =	vmul.f32 v26, v23  }
0x108: {  	v56 =	vld [tilespmem:s11+$0x6430];
	v28 =	vadd.f32 v35, v28;
	v27 =	vmax.f32 v27, $0.0e+00  }
0x109: {  	v57 =	vld [tilespmem:s11+$0x8430];
	v26 =	vadd.f32 v26, v31;
	v27 =	vmul.f32 v27, v24  }
0x10a: {  	v58 =	vld [tilespmem:s11+$0x8440];
	v29 =	vadd.f32 v29, v53;
	v28 =	vmax.f32 v28, $0.0e+00  }
0x10b: {  	v31 =	vld [tilespmem:s11+$0x6440];
	v28 =	vmul.f32 v28, v17;
	v26 =	vadd.f32 v27, v26  }
0x10c: {  	v59 =	vld [tilespmem:s11+$0x8450];
	v29 =	vmax.f32 v29, $0.0e+00;
	v30 =	vadd.f32 v30, v55  }
0x10d: {  	v27 =	vld [tilespmem:s11+$0x6450];
	v29 =	vmul.f32 v29, v18;
	v28 =	vadd.f32 $0.0e+00, v28;
	[tilespmem:s10+$0x9D00] =	vst v26  }
0x10e: {  	v26 =	vmax.f32 v30, $0.0e+00;
	v30 =	vadd.f32 v57, v56;
	v60 =	vld [tilespmem:s11+$0x6460]  }
0x10f: {  	v26 =	vmul.f32 v26, v19;
	v28 =	vadd.f32 v29, v28;
	v29 =	vld [tilespmem:s11+$0x8460]  }
0x110: {  	v31 =	vadd.f32 v58, v31;
	v61 =	vld [tilespmem:s11+$0x6470];
	v30 =	vmax.f32 v30, $0.0e+00  }
0x111: {  	v26 =	vadd.f32 v26, v28;
	v28 =	vmul.f32 v30, v20;
	v30 =	vld [tilespmem:s11+$0x8470]  }
0x112: {  	v31 =	vmax.f32 v31, $0.0e+00;
	v27 =	vadd.f32 v59, v27  }
0x113: {  	v26 =	vadd.f32 v28, v26;
	v28 =	vmul.f32 v31, v21  }
0x114: {  	v27 =	vmax.f32 v27, $0.0e+00;
	v29 =	vadd.f32 v29, v60  }
0x115: {  	v27 =	vmul.f32 v27, v22;
	v26 =	vadd.f32 v28, v26  }
0x116: {  	v28 =	vmax.f32 v29, $0.0e+00;
	v29 =	vadd.f32 v30, v61  }
0x117: {  	v26 =	vadd.f32 v27, v26;
	v27 =	vmul.f32 v28, v23  }
0x118: {  	v28 =	vmax.f32 v29, $0.0e+00  }
0x119: {  	v26 =	vadd.f32 v27, v26;
	v27 =	vmul.f32 v28, v24;
	_ =	sdelay $0x1  }
0x11a: {  	v26 =	vadd.f32 v27, v26;
	_ =	sdelay $0x1  }
0x11b: {  	[tilespmem:s11+$0x9D00] =	vst v26  }
0x11c: {  	v26 =	vld.idx.msk [tilespmem:v0+s19+$0x0], $0xffff;
	_ =	sdelay $0x1  }
0x11d: {  	v27 =	vld.idx.msk [tilespmem:v2+s19+$0x0], $0xffff;
	_ =	sdelay $0x1  }
0x11e: {  	v28 =	vld.idx.msk [tilespmem:v3+s19+$0x0], $0xffff  }
0x11f: {  	v26 =	vadd.f32 $0.0e+00, v26  }
0x120: {  	v29 =	vld.idx.msk [tilespmem:v4+s19+$0x0], $0xffff  }
0x121: {  	v26 =	vadd.f32 v27, v26  }
0x122: {  	v27 =	vld.idx.msk [tilespmem:v5+s19+$0x0], $0xffff  }
0x123: {  	v26 =	vadd.f32 v28, v26  }
0x124: {  	v28 =	vld.idx.msk [tilespmem:v6+s19+$0x0], $0xffff  }
0x125: {  	v26 =	vadd.f32 v29, v26  }
0x126: {  	v29 =	vld.idx.msk [tilespmem:v7+s19+$0x0], $0xffff  }
0x127: {  	v26 =	vadd.f32 v27, v26  }
0x128: {  	v27 =	vld.idx.msk [tilespmem:v8+s19+$0x0], $0xffff  }
0x129: {  	v26 =	vadd.f32 v28, v26  }
0x12a: {  	v28 =	vld.idx.msk [tilespmem:v9+s19+$0x0], $0xffff  }
0x12b: {  	v26 =	vadd.f32 v29, v26  }
0x12c: {  	v29 =	vld.idx.msk [tilespmem:v10+s19+$0x0], $0xffff  }
0x12d: {  	v26 =	vadd.f32 v27, v26  }
0x12e: {  	v27 =	vld.idx.msk [tilespmem:v11+s19+$0x0], $0xffff  }
0x12f: {  	v26 =	vadd.f32 v28, v26  }
0x130: {  	v28 =	vld.idx.msk [tilespmem:v12+s19+$0x0], $0xffff  }
0x131: {  	v26 =	vadd.f32 v29, v26  }
0x132: {  	v29 =	vld.idx.msk [tilespmem:v13+s19+$0x0], $0xffff  }
0x133: {  	v26 =	vadd.f32 v27, v26  }
0x134: {  	v27 =	vld.idx.msk [tilespmem:v14+s19+$0x0], $0xffff  }
0x135: {  	v26 =	vadd.f32 v28, v26  }
0x136: {  	v28 =	vld.idx.msk [tilespmem:v15+s19+$0x0], $0xffff  }
0x137: {  	v26 =	vadd.f32 v29, v26  }
0x138: {  	v29 =	vld.idx.msk [tilespmem:v16+s19+$0x0], $0xffff  }
0x139: {  	v26 =	vadd.f32 v27, v26;
	_ =	sdelay $0x1  }
0x13a: {  	v26 =	vadd.f32 v28, v26;
	_ =	sdelay $0x1  }
0x13b: {  	v26 =	vadd.f32 v29, v26;
	_ =	sdelay $0x1  }
0x13c: {  	v26 =	vadd.f32 v26, v25;
	_ =	sdelay $0x1  }
0x13d: {  	v26 =	vsub.f32 $0.0e+00, v26;
	_ =	sdelay $0x1  }
0x13e: {  	v26 =	vmul.f32 $1.442695020e+00, v26;
	_ =	sdelay $0x1  }
0x13f: {  	(erf) = vpow2.f32 v26;
	_ =	sdelay $0x8  }
0x140: {  	v26 =	vpop (erf)  }
0x141: {  	v26 =	vadd.f32 $1.000000000e+00, v26;
	_ =	sdelay $0x1  }
0x142: {  	(erf) = vrcp.f32 v26;
	_ =	sdelay $0x4  }
0x143: {  	v26 =	vld [tilespmem:s9+$0x2810];
	_ =	sdelay $0x3  }
0x144: {  	v27 =	vpop (erf)  }
0x145: {  	s16 =	simm.s32 $0x0;
	v26 =	vmul.f32 v27, v26  }
0x146: {  	v27 =	vmov s16  }
0x147: {  	s10 =	simm.s32 $0x3C40;
	[tilespmem:$0x9C90] =	vst v26  }
0x148: {  	v30 =	vld [tilespmem:s10+$0x30]  }
0x149: {  	v62 =	vld [tilespmem:s10+$0x10]  }
0x14a: {  	v31 =	vld [tilespmem:s10+$0xFFFFFFC0]  }
0x14b: {  	v27 =	vld.idx.msk [tilespmem:v27+s20+$0x0], $0xffff  }
0x14c: {  	v63 =	vld [tilespmem:s10+$0xFFFFFFE0]  }
0x14d: {  	v26 =	vld [tilespmem:s10+$0xFFFFFFF0]  }
0x14e: {  	v28 =	vld [tilespmem:s10+$0x20]  }
0x14f: {  	v29 =	vld [tilespmem:s10+$0xFFFFFFD0]  }
0x150: {  	v34 =	vmul.f32 v30, v27;
	v30 =	vld [tilespmem:s10+$0x0]  }
0x151: {  	v32 =	vmul.f32 v31, v27  }
0x152: {  	s14 =	simm.s32 $0x1;
	s15 =	simm.s32 $0x3C40;
	s11 =	sor.u32 $0x10, s9;
	v31 =	vmul.f32 v63, v27;
	v33 =	vmul.f32 v62, v27  }
.LBB2_11:
0x153: {  	p1 =	sne.s32 s14, $0x1F  }
0x154: {  	v29 =	vmul.f32 v29, v27;
	v28 =	vmul.f32 v28, v27;
	[tilespmem:s10+$0x30] =	vst v34;
	s15 =	sadd.s32 $0x80, s15;
	s16 =	smov.u32 s14;
	s14 =	sadd.s32 $0x1, s14  }
0x155: {  	[tilespmem:s10+$0xFFFFFFC0] =	vst v32;
	v32 =	vmul.f32 v26, v27;
	v27 =	vmul.f32 v30, v27  }
0x156: {  	[tilespmem:s10+$0x10] =	vst v33  }
0x157: {  	v30 =	vmov s16;
	[tilespmem:s10+$0xFFFFFFE0] =	vst v31  }
0x158: {  	v26 =	vld [tilespmem:s15+$0xFFFFFFF0];
	[tilespmem:s10+$0xFFFFFFF0] =	vst v32  }
0x159: {  	v31 =	vld [tilespmem:s15+$0x30];
	[tilespmem:s10+$0x0] =	vst v27  }
0x15a: {  	v33 =	vld [tilespmem:s15+$0x10];
	[tilespmem:s10+$0x20] =	vst v28  }
0x15b: {  	v32 =	vld [tilespmem:s15+$0xFFFFFFC0];
	[tilespmem:s10+$0xFFFFFFD0] =	vst v29;
	s10 =	smov.u32 s15  }
0x15c: {  	v27 =	vld.idx.msk [tilespmem:v30+s20+$0x0], $0xffff  }
0x15d: {  	v35 =	vld [tilespmem:s15+$0xFFFFFFE0]  }
0x15e: {  	v28 =	vld [tilespmem:s15+$0x20]  }
.Ltmp6:
0x15f: {  	v29 =	vld [tilespmem:s15+$0xFFFFFFD0];
	(pc) =	sbr.rel @p1 .LBB2_11-.Ltmp6, $3  }
0x160: {  	v30 =	vld [tilespmem:s15+$0x0];
	_ =	sdelay $0x1  }
0x161: {  	v32 =	vmul.f32 v32, v27;
	v34 =	vmul.f32 v31, v27  }
0x162: {  	v33 =	vmul.f32 v33, v27;
	v31 =	vmul.f32 v35, v27  }
0x163: {  	[tilespmem:s10+$0x30] =	vst v34  }
0x164: {  	[tilespmem:s10+$0xFFFFFFC0] =	vst v32  }
0x165: {  	v26 =	vmul.f32 v26, v27;
	[tilespmem:s10+$0x10] =	vst v33  }
0x166: {  	v28 =	vmul.f32 v28, v27;
	[tilespmem:s10+$0xFFFFFFE0] =	vst v31  }
0x167: {  	v30 =	vmul.f32 v30, v27;
	[tilespmem:s10+$0xFFFFFFF0] =	vst v26  }
0x168: {  	v26 =	vmul.f32 v29, v27;
	[tilespmem:s10+$0x20] =	vst v28  }
0x169: {  	[tilespmem:s10+$0x0] =	vst v30  }
0x16a: {  	[tilespmem:s10+$0xFFFFFFD0] =	vst v26  }
0x16b: {  	v26 =	vld [tilespmem:s9+$0x1400];
	_ =	sdelay $0x4  }
0x16c: {  	[tilespmem:$0x9C00] =	vst v26  }
0x16d: {  	v26 =	vld [tilespmem:s11+$0x1400];
	_ =	sdelay $0x4  }
0x16e: {  	[tilespmem:$0x9C10] =	vst v26  }
0x16f: {  	[spmem:s7] =	stream.indirect.scatter.add.f32 [tilespmem:s24], [sflag:$0x7], $0x80, s21, s23, $0xb8;
	[tilespmem:$0x1E680] =	vst v63  }
0x170: {  	p1 =	seq.s32 s18, $0x4E;
	_ =	swait.ge [sflag:s17], $0x1000  }
0x171: {  	s14 =	simm.s32 @!p1 $0x3C00;
	[sflag:s17] =	ssyncset.done $0x0  }
0x172: {  	s10 =	sadd.s32 @!p1 $0x40, s9;
	s11 =	simm.s32 @!p1 $0x20;
	[sflag:s17] =	ssyncadd.s32 $0xFFFFF000  }
0x173: {  	[tilespmem:s14], [sflag:$0x1] =	stream.indirect.gather @!p1 [hbm4b:s0+s11], $0x80, s10, s11, $0xb8;
	[tilespmem:$0x1E680] =	vst v63  }
0x174: {  	s14 =	simm.s32 @!p1 $0x5C00  }
0x175: {  	[tilespmem:s14], [sflag:$0x2] =	stream.indirect.gather @!p1 [hbm4b:s1+s11], $0x80, s10, s11, $0xb8;
	[tilespmem:$0x1E680] =	vst v63  }
0x176: {  	s10 =	sadd.s32 @!p1 $0x1440, s9;
	s14 =	simm.s32 @!p1 $0x7C00  }
0x177: {  	[tilespmem:s14], [sflag:$0x3] =	stream.indirect.gather @!p1 [hbm4b:s2+s11], $0x80, s10, s11, $0xb8;
	[tilespmem:$0x1E680] =	vst v63  }
0x178: {  	_ =	swait.ge [sflag:s25], $0x1000  }
0x179: {  	[sflag:s25] =	ssyncset.done $0x0  }
0x17a: {  	[sflag:s25] =	ssyncadd.s32 $0xFFFFF000  }
0x17b: {  	_ =	swait.ge [sflag:s26], $0x1000  }
0x17c: {  	[sflag:s26] =	ssyncset.done $0x0  }
0x17d: {  	[sflag:s26] =	ssyncadd.s32 $0xFFFFF000  }
0x17e: {  	_ =	swait.ge [sflag:s30], $0x1000  }
0x17f: {  	[sflag:s30] =	ssyncset.done $0x0  }
0x180: {  	s10 =	simm.s32 $0x0;
	[sflag:s30] =	ssyncadd.s32 $0xFFFFF000  }
0x181: {  	v26 =	vld [tilespmem:s10+$0x6C00]  }
0x182: {  	v27 =	vld [tilespmem:s10+$0x8C00]  }
0x183: {  	v28 =	vld [tilespmem:s10+$0x6C10]  }
0x184: {  	v29 =	vld [tilespmem:s10+$0x8C10]  }
0x185: {  	v30 =	vld [tilespmem:s10+$0x6C20]  }
0x186: {  	v31 =	vld [tilespmem:s10+$0x8C20]  }
0x187: {  	v61 =	vld [tilespmem:s10+$0x8C30];
	v26 =	vadd.f32 v27, v26  }
0x188: {  	v27 =	vld [tilespmem:s10+$0x6C30]  }
0x189: {  	v62 =	vld [tilespmem:s10+$0x6C40];
	v28 =	vadd.f32 v29, v28;
	v26 =	vmax.f32 v26, $0.0e+00  }
0x18a: {  	v63 =	vld [tilespmem:s10+$0x8C40];
	v26 =	vmul.f32 v26, v17  }
0x18b: {  	v35 =	vld [tilespmem:s10+$0x6C50];
	v29 =	vadd.f32 v31, v30;
	v28 =	vmax.f32 v28, $0.0e+00  }
0x18c: {  	v36 =	vld [tilespmem:s10+$0x8C50];
	v28 =	vmul.f32 v28, v18;
	v30 =	vadd.f32 $0.0e+00, v26  }
0x18d: {  	v29 =	vmax.f32 v29, $0.0e+00;
	v26 =	vld [tilespmem:s10+$0x6C60];
	v31 =	vadd.f32 v61, v27  }
0x18e: {  	v28 =	vadd.f32 v28, v30;
	v30 =	vmul.f32 v29, v19;
	v29 =	vld [tilespmem:s10+$0x8C60]  }
0x18f: {  	v33 =	vadd.f32 v63, v62;
	v27 =	vld [tilespmem:s10+$0x6C70];
	v32 =	vmax.f32 v31, $0.0e+00  }
0x190: {  	s11 =	simm.s32 $0x80;
	v32 =	vmul.f32 v32, v20;
	v31 =	vadd.f32 v30, v28;
	v30 =	vld [tilespmem:s10+$0x8C70]  }
0x191: {  	s14 =	simm.s32 $0x400;
	v34 =	vmax.f32 v33, $0.0e+00;
	v33 =	vadd.f32 v36, v35;
	v28 =	vld [tilespmem:s11+$0x6C00]  }
.LBB2_13:
0x192: {  	p2 =	sne.s32 s14, $0x1E00;
	v35 =	vld [tilespmem:s11+$0x8C00];
	v31 =	vadd.f32 v32, v31;
	v32 =	vmul.f32 v34, v21  }
0x193: {  	v34 =	vld [tilespmem:s11+$0x6C10];
	v33 =	vmax.f32 v33, $0.0e+00;
	v26 =	vadd.f32 v29, v26  }
0x194: {  	v29 =	vld [tilespmem:s11+$0x8C10];
	v31 =	vadd.f32 v32, v31;
	v32 =	vmul.f32 v33, v22  }
0x195: {  	v33 =	vld [tilespmem:s11+$0x6C20];
	v26 =	vmax.f32 v26, $0.0e+00;
	v27 =	vadd.f32 v30, v27  }
0x196: {  	v30 =	vld [tilespmem:s11+$0x8C20];
	v31 =	vadd.f32 v32, v31;
	v26 =	vmul.f32 v26, v23  }
0x197: {  	v28 =	vadd.f32 v35, v28;
	v32 =	vld [tilespmem:s11+$0x6C30];
	v27 =	vmax.f32 v27, $0.0e+00  }
0x198: {  	v35 =	vld [tilespmem:s11+$0x8C30];
	v26 =	vadd.f32 v26, v31;
	v27 =	vmul.f32 v27, v24  }
0x199: {  	v28 =	vmax.f32 v28, $0.0e+00;
	v29 =	vadd.f32 v29, v34;
	v31 =	vld [tilespmem:s11+$0x6C40]  }
0x19a: {  	v28 =	vmul.f32 v28, v17;
	v34 =	vld [tilespmem:s11+$0x8C40];
	v26 =	vadd.f32 v27, v26  }
0x19b: {  	v27 =	vmax.f32 v29, $0.0e+00;
	v29 =	vadd.f32 v30, v33;
	v33 =	vld [tilespmem:s11+$0x6C50]  }
0x19c: {  	v28 =	vadd.f32 $0.0e+00, v28;
	v27 =	vmul.f32 v27, v18;
	v36 =	vld [tilespmem:s11+$0x8C50];
	[tilespmem:s10+$0x9D00] =	vst v26;
	s10 =	smov.u32 s11  }
.Ltmp7:
0x19d: {  	v29 =	vmax.f32 v29, $0.0e+00;
	v30 =	vadd.f32 v35, v32;
	v26 =	vld [tilespmem:s10+$0x6C60];
	(pc) =	sbr.rel @p2 .LBB2_13-.Ltmp7, $4  }
0x19e: {  	v28 =	vadd.f32 v27, v28;
	v32 =	vmul.f32 v29, v19;
	v29 =	vld [tilespmem:s10+$0x8C60]  }
0x19f: {  	v30 =	vmax.f32 v30, $0.0e+00;
	v34 =	vadd.f32 v34, v31;
	v27 =	vld [tilespmem:s10+$0x6C70]  }
0x1a0: {  	s11 =	sshra.s32 s14, $0x2;
	v31 =	vadd.f32 v32, v28;
	v32 =	vmul.f32 v30, v20;
	v30 =	vld [tilespmem:s10+$0x8C70]  }
0x1a1: {  	s14 =	sadd.s32 $0x200, s14;
	v28 =	vld [tilespmem:s11+$0x6C00];
	v34 =	vmax.f32 v34, $0.0e+00;
	v33 =	vadd.f32 v36, v33  }
0x1a2: {  	v35 =	vld [tilespmem:s11+$0x8C00];
	v31 =	vadd.f32 v32, v31;
	v50 =	vmul.f32 v34, v21  }
0x1a3: {  	v51 =	vld [tilespmem:s11+$0x6C10];
	v33 =	vmax.f32 v33, $0.0e+00;
	v26 =	vadd.f32 v29, v26  }
0x1a4: {  	v29 =	vld [tilespmem:s11+$0x8C10];
	v31 =	vadd.f32 v50, v31;
	v52 =	vmul.f32 v33, v22  }
0x1a5: {  	v53 =	vld [tilespmem:s11+$0x6C20];
	v26 =	vmax.f32 v26, $0.0e+00;
	v27 =	vadd.f32 v30, v27  }
0x1a6: {  	v30 =	vld [tilespmem:s11+$0x8C20];
	v31 =	vadd.f32 v52, v31;
	v26 =	vmul.f32 v26, v23  }
0x1a7: {  	v54 =	vld [tilespmem:s11+$0x6C30];
	v28 =	vadd.f32 v35, v28;
	v27 =	vmax.f32 v27, $0.0e+00  }
0x1a8: {  	v55 =	vld [tilespmem:s11+$0x8C30];
	v26 =	vadd.f32 v26, v31;
	v27 =	vmul.f32 v27, v24  }
0x1a9: {  	v56 =	vld [tilespmem:s11+$0x8C40];
	v29 =	vadd.f32 v29, v51;
	v28 =	vmax.f32 v28, $0.0e+00  }
0x1aa: {  	v31 =	vld [tilespmem:s11+$0x6C40];
	v28 =	vmul.f32 v28, v17;
	v26 =	vadd.f32 v27, v26  }
0x1ab: {  	v57 =	vld [tilespmem:s11+$0x8C50];
	v29 =	vmax.f32 v29, $0.0e+00;
	v30 =	vadd.f32 v30, v53  }
0x1ac: {  	v27 =	vld [tilespmem:s11+$0x6C50];
	v29 =	vmul.f32 v29, v18;
	v28 =	vadd.f32 $0.0e+00, v28;
	[tilespmem:s10+$0x9D00] =	vst v26  }
0x1ad: {  	v26 =	vmax.f32 v30, $0.0e+00;
	v30 =	vadd.f32 v55, v54;
	v58 =	vld [tilespmem:s11+$0x6C60]  }
0x1ae: {  	v26 =	vmul.f32 v26, v19;
	v28 =	vadd.f32 v29, v28;
	v29 =	vld [tilespmem:s11+$0x8C60]  }
0x1af: {  	v31 =	vadd.f32 v56, v31;
	v59 =	vld [tilespmem:s11+$0x6C70];
	v30 =	vmax.f32 v30, $0.0e+00  }
0x1b0: {  	v26 =	vadd.f32 v26, v28;
	v28 =	vmul.f32 v30, v20;
	v30 =	vld [tilespmem:s11+$0x8C70]  }
0x1b1: {  	v31 =	vmax.f32 v31, $0.0e+00;
	v27 =	vadd.f32 v57, v27  }
0x1b2: {  	v26 =	vadd.f32 v28, v26;
	v28 =	vmul.f32 v31, v21  }
0x1b3: {  	v27 =	vmax.f32 v27, $0.0e+00;
	v29 =	vadd.f32 v29, v58  }
0x1b4: {  	v27 =	vmul.f32 v27, v22;
	v26 =	vadd.f32 v28, v26  }
0x1b5: {  	v28 =	vmax.f32 v29, $0.0e+00;
	v29 =	vadd.f32 v30, v59  }
0x1b6: {  	v26 =	vadd.f32 v27, v26;
	v27 =	vmul.f32 v28, v23  }
0x1b7: {  	v28 =	vmax.f32 v29, $0.0e+00  }
0x1b8: {  	v26 =	vadd.f32 v27, v26;
	v27 =	vmul.f32 v28, v24;
	_ =	sdelay $0x1  }
0x1b9: {  	v26 =	vadd.f32 v27, v26;
	_ =	sdelay $0x1  }
0x1ba: {  	[tilespmem:s11+$0x9D00] =	vst v26  }
0x1bb: {  	v26 =	vld.idx.msk [tilespmem:v0+s19+$0x0], $0xffff;
	_ =	sdelay $0x1  }
0x1bc: {  	v27 =	vld.idx.msk [tilespmem:v2+s19+$0x0], $0xffff;
	_ =	sdelay $0x1  }
0x1bd: {  	v28 =	vld.idx.msk [tilespmem:v3+s19+$0x0], $0xffff  }
0x1be: {  	v26 =	vadd.f32 $0.0e+00, v26  }
0x1bf: {  	v29 =	vld.idx.msk [tilespmem:v4+s19+$0x0], $0xffff  }
0x1c0: {  	v26 =	vadd.f32 v27, v26  }
0x1c1: {  	v27 =	vld.idx.msk [tilespmem:v5+s19+$0x0], $0xffff  }
0x1c2: {  	v26 =	vadd.f32 v28, v26  }
0x1c3: {  	v28 =	vld.idx.msk [tilespmem:v6+s19+$0x0], $0xffff  }
0x1c4: {  	v26 =	vadd.f32 v29, v26  }
0x1c5: {  	v29 =	vld.idx.msk [tilespmem:v7+s19+$0x0], $0xffff  }
0x1c6: {  	v26 =	vadd.f32 v27, v26  }
0x1c7: {  	v27 =	vld.idx.msk [tilespmem:v8+s19+$0x0], $0xffff  }
0x1c8: {  	v26 =	vadd.f32 v28, v26  }
0x1c9: {  	v28 =	vld.idx.msk [tilespmem:v9+s19+$0x0], $0xffff  }
0x1ca: {  	v26 =	vadd.f32 v29, v26  }
0x1cb: {  	v29 =	vld.idx.msk [tilespmem:v10+s19+$0x0], $0xffff  }
0x1cc: {  	v26 =	vadd.f32 v27, v26  }
0x1cd: {  	v27 =	vld.idx.msk [tilespmem:v11+s19+$0x0], $0xffff  }
0x1ce: {  	v26 =	vadd.f32 v28, v26  }
0x1cf: {  	v28 =	vld.idx.msk [tilespmem:v12+s19+$0x0], $0xffff  }
0x1d0: {  	v26 =	vadd.f32 v29, v26  }
0x1d1: {  	v29 =	vld.idx.msk [tilespmem:v13+s19+$0x0], $0xffff  }
0x1d2: {  	v26 =	vadd.f32 v27, v26  }
0x1d3: {  	v27 =	vld.idx.msk [tilespmem:v14+s19+$0x0], $0xffff  }
0x1d4: {  	v26 =	vadd.f32 v28, v26  }
0x1d5: {  	v28 =	vld.idx.msk [tilespmem:v15+s19+$0x0], $0xffff  }
0x1d6: {  	v26 =	vadd.f32 v29, v26  }
0x1d7: {  	v29 =	vld.idx.msk [tilespmem:v16+s19+$0x0], $0xffff  }
0x1d8: {  	v26 =	vadd.f32 v27, v26;
	_ =	sdelay $0x1  }
0x1d9: {  	v26 =	vadd.f32 v28, v26;
	_ =	sdelay $0x1  }
0x1da: {  	v26 =	vadd.f32 v29, v26;
	_ =	sdelay $0x1  }
0x1db: {  	v26 =	vadd.f32 v26, v25;
	_ =	sdelay $0x1  }
0x1dc: {  	v26 =	vsub.f32 $0.0e+00, v26;
	_ =	sdelay $0x1  }
0x1dd: {  	v26 =	vmul.f32 $1.442695020e+00, v26;
	_ =	sdelay $0x1  }
0x1de: {  	(erf) = vpow2.f32 v26;
	_ =	sdelay $0x8  }
0x1df: {  	v26 =	vpop (erf)  }
0x1e0: {  	v26 =	vadd.f32 $1.000000000e+00, v26;
	_ =	sdelay $0x1  }
0x1e1: {  	(erf) = vrcp.f32 v26;
	_ =	sdelay $0x4  }
0x1e2: {  	v26 =	vld [tilespmem:s9+$0x2820];
	_ =	sdelay $0x3  }
0x1e3: {  	v27 =	vpop (erf)  }
0x1e4: {  	v26 =	vmul.f32 v27, v26;
	_ =	sdelay $0x1  }
0x1e5: {  	s11 =	simm.s32 $0x0;
	[tilespmem:$0x9C80] =	vst v26  }
0x1e6: {  	v26 =	vld [tilespmem:s11+$0x7400]  }
0x1e7: {  	v27 =	vld [tilespmem:s11+$0x9400]  }
0x1e8: {  	v28 =	vld [tilespmem:s11+$0x7410]  }
0x1e9: {  	v29 =	vld [tilespmem:s11+$0x9410]  }
0x1ea: {  	v30 =	vld [tilespmem:s11+$0x7420]  }
0x1eb: {  	v31 =	vld [tilespmem:s11+$0x9420]  }
0x1ec: {  	v60 =	vld [tilespmem:s11+$0x9430];
	v26 =	vadd.f32 v27, v26  }
0x1ed: {  	v27 =	vld [tilespmem:s11+$0x7430]  }
0x1ee: {  	v61 =	vld [tilespmem:s11+$0x7440];
	v28 =	vadd.f32 v29, v28;
	v26 =	vmax.f32 v26, $0.0e+00  }
0x1ef: {  	v62 =	vld [tilespmem:s11+$0x9440];
	v26 =	vmul.f32 v26, v17  }
0x1f0: {  	v63 =	vld [tilespmem:s11+$0x7450];
	v29 =	vadd.f32 v31, v30;
	v28 =	vmax.f32 v28, $0.0e+00  }
0x1f1: {  	v36 =	vld [tilespmem:s11+$0x9450];
	v28 =	vmul.f32 v28, v18;
	v30 =	vadd.f32 $0.0e+00, v26  }
0x1f2: {  	v29 =	vmax.f32 v29, $0.0e+00;
	v26 =	vld [tilespmem:s11+$0x7460];
	v31 =	vadd.f32 v60, v27  }
0x1f3: {  	v28 =	vadd.f32 v28, v30;
	v30 =	vmul.f32 v29, v19;
	v29 =	vld [tilespmem:s11+$0x9460]  }
0x1f4: {  	v33 =	vadd.f32 v62, v61;
	v27 =	vld [tilespmem:s11+$0x7470];
	v32 =	vmax.f32 v31, $0.0e+00  }
0x1f5: {  	s14 =	simm.s32 $0x80;
	v32 =	vmul.f32 v32, v20;
	v31 =	vadd.f32 v30, v28;
	v30 =	vld [tilespmem:s11+$0x9470]  }
0x1f6: {  	s15 =	simm.s32 $0x400;
	s10 =	sor.u32 $0x20, s9;
	v34 =	vmax.f32 v33, $0.0e+00;
	v33 =	vadd.f32 v36, v63;
	v28 =	vld [tilespmem:s14+$0x7400]  }
.LBB2_15:
0x1f7: {  	p2 =	sne.s32 s15, $0x1E00;
	v35 =	vld [tilespmem:s14+$0x9400];
	v31 =	vadd.f32 v32, v31;
	v32 =	vmul.f32 v34, v21  }
0x1f8: {  	v34 =	vld [tilespmem:s14+$0x7410];
	v33 =	vmax.f32 v33, $0.0e+00;
	v26 =	vadd.f32 v29, v26  }
0x1f9: {  	v29 =	vld [tilespmem:s14+$0x9410];
	v31 =	vadd.f32 v32, v31;
	v32 =	vmul.f32 v33, v22  }
0x1fa: {  	v33 =	vld [tilespmem:s14+$0x7420];
	v26 =	vmax.f32 v26, $0.0e+00;
	v27 =	vadd.f32 v30, v27  }
0x1fb: {  	v30 =	vld [tilespmem:s14+$0x9420];
	v31 =	vadd.f32 v32, v31;
	v26 =	vmul.f32 v26, v23  }
0x1fc: {  	v28 =	vadd.f32 v35, v28;
	v32 =	vld [tilespmem:s14+$0x7430];
	v27 =	vmax.f32 v27, $0.0e+00  }
0x1fd: {  	v35 =	vld [tilespmem:s14+$0x9430];
	v26 =	vadd.f32 v26, v31;
	v27 =	vmul.f32 v27, v24  }
0x1fe: {  	v28 =	vmax.f32 v28, $0.0e+00;
	v29 =	vadd.f32 v29, v34;
	v31 =	vld [tilespmem:s14+$0x7440]  }
0x1ff: {  	v28 =	vmul.f32 v28, v17;
	v34 =	vld [tilespmem:s14+$0x9440];
	v26 =	vadd.f32 v27, v26  }
0x200: {  	v27 =	vmax.f32 v29, $0.0e+00;
	v29 =	vadd.f32 v30, v33;
	v33 =	vld [tilespmem:s14+$0x7450]  }
0x201: {  	v28 =	vadd.f32 $0.0e+00, v28;
	v27 =	vmul.f32 v27, v18;
	v36 =	vld [tilespmem:s14+$0x9450];
	[tilespmem:s11+$0x9D00] =	vst v26;
	s11 =	smov.u32 s14  }
.Ltmp8:
0x202: {  	v29 =	vmax.f32 v29, $0.0e+00;
	v30 =	vadd.f32 v35, v32;
	v26 =	vld [tilespmem:s11+$0x7460];
	(pc) =	sbr.rel @p2 .LBB2_15-.Ltmp8, $4  }
0x203: {  	v28 =	vadd.f32 v27, v28;
	v32 =	vmul.f32 v29, v19;
	v29 =	vld [tilespmem:s11+$0x9460]  }
0x204: {  	v30 =	vmax.f32 v30, $0.0e+00;
	v34 =	vadd.f32 v34, v31;
	v27 =	vld [tilespmem:s11+$0x7470]  }
0x205: {  	s14 =	sshra.s32 s15, $0x2;
	v31 =	vadd.f32 v32, v28;
	v32 =	vmul.f32 v30, v20;
	v30 =	vld [tilespmem:s11+$0x9470]  }
0x206: {  	s15 =	sadd.s32 $0x200, s15;
	v28 =	vld [tilespmem:s14+$0x7400];
	v34 =	vmax.f32 v34, $0.0e+00;
	v33 =	vadd.f32 v36, v33  }
0x207: {  	v35 =	vld [tilespmem:s14+$0x9400];
	v31 =	vadd.f32 v32, v31;
	v52 =	vmul.f32 v34, v21  }
0x208: {  	v53 =	vld [tilespmem:s14+$0x7410];
	v33 =	vmax.f32 v33, $0.0e+00;
	v26 =	vadd.f32 v29, v26  }
0x209: {  	v29 =	vld [tilespmem:s14+$0x9410];
	v31 =	vadd.f32 v52, v31;
	v54 =	vmul.f32 v33, v22  }
0x20a: {  	v55 =	vld [tilespmem:s14+$0x7420];
	v26 =	vmax.f32 v26, $0.0e+00;
	v27 =	vadd.f32 v30, v27  }
0x20b: {  	v30 =	vld [tilespmem:s14+$0x9420];
	v31 =	vadd.f32 v54, v31;
	v26 =	vmul.f32 v26, v23  }
0x20c: {  	v56 =	vld [tilespmem:s14+$0x7430];
	v28 =	vadd.f32 v35, v28;
	v27 =	vmax.f32 v27, $0.0e+00  }
0x20d: {  	v57 =	vld [tilespmem:s14+$0x9430];
	v26 =	vadd.f32 v26, v31;
	v27 =	vmul.f32 v27, v24  }
0x20e: {  	v58 =	vld [tilespmem:s14+$0x9440];
	v29 =	vadd.f32 v29, v53;
	v28 =	vmax.f32 v28, $0.0e+00  }
0x20f: {  	v31 =	vld [tilespmem:s14+$0x7440];
	v28 =	vmul.f32 v28, v17;
	v26 =	vadd.f32 v27, v26  }
0x210: {  	v59 =	vld [tilespmem:s14+$0x9450];
	v29 =	vmax.f32 v29, $0.0e+00;
	v30 =	vadd.f32 v30, v55  }
0x211: {  	v27 =	vld [tilespmem:s14+$0x7450];
	v29 =	vmul.f32 v29, v18;
	v28 =	vadd.f32 $0.0e+00, v28;
	[tilespmem:s11+$0x9D00] =	vst v26  }
0x212: {  	v26 =	vmax.f32 v30, $0.0e+00;
	v30 =	vadd.f32 v57, v56;
	v60 =	vld [tilespmem:s14+$0x7460]  }
0x213: {  	v26 =	vmul.f32 v26, v19;
	v28 =	vadd.f32 v29, v28;
	v29 =	vld [tilespmem:s14+$0x9460]  }
0x214: {  	v31 =	vadd.f32 v58, v31;
	v61 =	vld [tilespmem:s14+$0x7470];
	v30 =	vmax.f32 v30, $0.0e+00  }
0x215: {  	v26 =	vadd.f32 v26, v28;
	v28 =	vmul.f32 v30, v20;
	v30 =	vld [tilespmem:s14+$0x9470]  }
0x216: {  	v31 =	vmax.f32 v31, $0.0e+00;
	v27 =	vadd.f32 v59, v27  }
0x217: {  	v26 =	vadd.f32 v28, v26;
	v28 =	vmul.f32 v31, v21  }
0x218: {  	v27 =	vmax.f32 v27, $0.0e+00;
	v29 =	vadd.f32 v29, v60  }
0x219: {  	v27 =	vmul.f32 v27, v22;
	v26 =	vadd.f32 v28, v26  }
0x21a: {  	v28 =	vmax.f32 v29, $0.0e+00;
	v29 =	vadd.f32 v30, v61  }
0x21b: {  	v26 =	vadd.f32 v27, v26;
	v27 =	vmul.f32 v28, v23  }
0x21c: {  	v28 =	vmax.f32 v29, $0.0e+00  }
0x21d: {  	v26 =	vadd.f32 v27, v26;
	v27 =	vmul.f32 v28, v24;
	_ =	sdelay $0x1  }
0x21e: {  	v26 =	vadd.f32 v27, v26;
	_ =	sdelay $0x1  }
0x21f: {  	[tilespmem:s14+$0x9D00] =	vst v26  }
0x220: {  	v26 =	vld.idx.msk [tilespmem:v0+s19+$0x0], $0xffff;
	_ =	sdelay $0x1  }
0x221: {  	v27 =	vld.idx.msk [tilespmem:v2+s19+$0x0], $0xffff;
	_ =	sdelay $0x1  }
0x222: {  	v28 =	vld.idx.msk [tilespmem:v3+s19+$0x0], $0xffff  }
0x223: {  	v26 =	vadd.f32 $0.0e+00, v26  }
0x224: {  	v29 =	vld.idx.msk [tilespmem:v4+s19+$0x0], $0xffff  }
0x225: {  	v26 =	vadd.f32 v27, v26  }
0x226: {  	v27 =	vld.idx.msk [tilespmem:v5+s19+$0x0], $0xffff  }
0x227: {  	v26 =	vadd.f32 v28, v26  }
0x228: {  	v28 =	vld.idx.msk [tilespmem:v6+s19+$0x0], $0xffff  }
0x229: {  	v26 =	vadd.f32 v29, v26  }
0x22a: {  	v29 =	vld.idx.msk [tilespmem:v7+s19+$0x0], $0xffff  }
0x22b: {  	v26 =	vadd.f32 v27, v26  }
0x22c: {  	v27 =	vld.idx.msk [tilespmem:v8+s19+$0x0], $0xffff  }
0x22d: {  	v26 =	vadd.f32 v28, v26  }
0x22e: {  	v28 =	vld.idx.msk [tilespmem:v9+s19+$0x0], $0xffff  }
0x22f: {  	v26 =	vadd.f32 v29, v26  }
0x230: {  	v29 =	vld.idx.msk [tilespmem:v10+s19+$0x0], $0xffff  }
0x231: {  	v26 =	vadd.f32 v27, v26  }
0x232: {  	v27 =	vld.idx.msk [tilespmem:v11+s19+$0x0], $0xffff  }
0x233: {  	v26 =	vadd.f32 v28, v26  }
0x234: {  	v28 =	vld.idx.msk [tilespmem:v12+s19+$0x0], $0xffff  }
0x235: {  	v26 =	vadd.f32 v29, v26  }
0x236: {  	v29 =	vld.idx.msk [tilespmem:v13+s19+$0x0], $0xffff  }
0x237: {  	v26 =	vadd.f32 v27, v26  }
0x238: {  	v27 =	vld.idx.msk [tilespmem:v14+s19+$0x0], $0xffff  }
0x239: {  	v26 =	vadd.f32 v28, v26  }
0x23a: {  	v28 =	vld.idx.msk [tilespmem:v15+s19+$0x0], $0xffff  }
0x23b: {  	v26 =	vadd.f32 v29, v26  }
0x23c: {  	v29 =	vld.idx.msk [tilespmem:v16+s19+$0x0], $0xffff  }
0x23d: {  	v26 =	vadd.f32 v27, v26;
	_ =	sdelay $0x1  }
0x23e: {  	v26 =	vadd.f32 v28, v26;
	_ =	sdelay $0x1  }
0x23f: {  	v26 =	vadd.f32 v29, v26;
	_ =	sdelay $0x1  }
0x240: {  	v26 =	vadd.f32 v26, v25;
	_ =	sdelay $0x1  }
0x241: {  	v26 =	vsub.f32 $0.0e+00, v26;
	_ =	sdelay $0x1  }
0x242: {  	v26 =	vmul.f32 $1.442695020e+00, v26;
	_ =	sdelay $0x1  }
0x243: {  	(erf) = vpow2.f32 v26;
	_ =	sdelay $0x8  }
0x244: {  	v26 =	vpop (erf)  }
0x245: {  	v26 =	vadd.f32 $1.000000000e+00, v26;
	_ =	sdelay $0x1  }
0x246: {  	(erf) = vrcp.f32 v26;
	_ =	sdelay $0x4  }
0x247: {  	v26 =	vld [tilespmem:s9+$0x2830];
	_ =	sdelay $0x3  }
0x248: {  	v27 =	vpop (erf)  }
0x249: {  	s16 =	simm.s32 $0x0;
	v26 =	vmul.f32 v27, v26  }
0x24a: {  	v27 =	vmov s16  }
0x24b: {  	s11 =	simm.s32 $0x4C40;
	[tilespmem:$0x9C90] =	vst v26  }
0x24c: {  	v30 =	vld [tilespmem:s11+$0x30]  }
0x24d: {  	v62 =	vld [tilespmem:s11+$0x10]  }
0x24e: {  	v31 =	vld [tilespmem:s11+$0xFFFFFFC0]  }
0x24f: {  	v27 =	vld.idx.msk [tilespmem:v27+s20+$0x0], $0xffff  }
0x250: {  	v63 =	vld [tilespmem:s11+$0xFFFFFFE0]  }
0x251: {  	v26 =	vld [tilespmem:s11+$0xFFFFFFF0]  }
0x252: {  	v28 =	vld [tilespmem:s11+$0x20]  }
0x253: {  	v29 =	vld [tilespmem:s11+$0xFFFFFFD0]  }
0x254: {  	v34 =	vmul.f32 v30, v27;
	v30 =	vld [tilespmem:s11+$0x0]  }
0x255: {  	v32 =	vmul.f32 v31, v27  }
0x256: {  	s15 =	simm.s32 $0x1;
	s14 =	sor.u32 $0x30, s9;
	s16 =	simm.s32 $0x4C40;
	v31 =	vmul.f32 v63, v27;
	v33 =	vmul.f32 v62, v27  }
.LBB2_17:
0x257: {  	p2 =	sne.s32 s15, $0x1F  }
0x258: {  	v29 =	vmul.f32 v29, v27;
	v28 =	vmul.f32 v28, v27;
	[tilespmem:s11+$0x30] =	vst v34;
	s16 =	sadd.s32 $0x80, s16;
	s13 =	smov.u32 s15;
	s15 =	sadd.s32 $0x1, s15  }
0x259: {  	[tilespmem:s11+$0xFFFFFFC0] =	vst v32;
	v32 =	vmul.f32 v26, v27;
	v27 =	vmul.f32 v30, v27  }
0x25a: {  	[tilespmem:s11+$0x10] =	vst v33  }
0x25b: {  	v30 =	vmov s13;
	[tilespmem:s11+$0xFFFFFFE0] =	vst v31  }
0x25c: {  	v26 =	vld [tilespmem:s16+$0xFFFFFFF0];
	[tilespmem:s11+$0xFFFFFFF0] =	vst v32  }
0x25d: {  	v31 =	vld [tilespmem:s16+$0x30];
	[tilespmem:s11+$0x0] =	vst v27  }
0x25e: {  	v33 =	vld [tilespmem:s16+$0x10];
	[tilespmem:s11+$0x20] =	vst v28  }
0x25f: {  	v32 =	vld [tilespmem:s16+$0xFFFFFFC0];
	[tilespmem:s11+$0xFFFFFFD0] =	vst v29;
	s11 =	smov.u32 s16  }
0x260: {  	v27 =	vld.idx.msk [tilespmem:v30+s20+$0x0], $0xffff  }
0x261: {  	v35 =	vld [tilespmem:s16+$0xFFFFFFE0]  }
0x262: {  	v28 =	vld [tilespmem:s16+$0x20]  }
.Ltmp9:
0x263: {  	v29 =	vld [tilespmem:s16+$0xFFFFFFD0];
	(pc) =	sbr.rel @p2 .LBB2_17-.Ltmp9, $3  }
0x264: {  	v30 =	vld [tilespmem:s16+$0x0];
	_ =	sdelay $0x1  }
0x265: {  	v32 =	vmul.f32 v32, v27;
	v34 =	vmul.f32 v31, v27  }
0x266: {  	v33 =	vmul.f32 v33, v27;
	v31 =	vmul.f32 v35, v27  }
0x267: {  	[tilespmem:s11+$0x30] =	vst v34  }
0x268: {  	[tilespmem:s11+$0xFFFFFFC0] =	vst v32  }
0x269: {  	v26 =	vmul.f32 v26, v27;
	[tilespmem:s11+$0x10] =	vst v33  }
0x26a: {  	v28 =	vmul.f32 v28, v27;
	[tilespmem:s11+$0xFFFFFFE0] =	vst v31  }
0x26b: {  	v30 =	vmul.f32 v30, v27;
	[tilespmem:s11+$0xFFFFFFF0] =	vst v26  }
0x26c: {  	v26 =	vmul.f32 v29, v27;
	[tilespmem:s11+$0x20] =	vst v28  }
0x26d: {  	[tilespmem:s11+$0x0] =	vst v30  }
0x26e: {  	[tilespmem:s11+$0xFFFFFFD0] =	vst v26  }
0x26f: {  	v26 =	vld [tilespmem:s10+$0x1400];
	_ =	sdelay $0x4  }
0x270: {  	[tilespmem:$0x9C00] =	vst v26  }
0x271: {  	v26 =	vld [tilespmem:s14+$0x1400];
	_ =	sdelay $0x4  }
.Ltmp10:
0x272: {  	[tilespmem:$0x9C10] =	vst v26;
	(pc) =	sbr.rel @p1 .LBB2_20-.Ltmp10, $4  }
0x273: {  	[spmem:s7] =	stream.indirect.scatter.add.f32 [tilespmem:s28], [sflag:$0x7], $0x80, s21, s23, $0xb8;
	[tilespmem:$0x1E680] =	vst v63  }
0x274: {  	_ =	swait.ge [sflag:s17], $0x1000  }
0x275: {  	[sflag:s17] =	ssyncset.done $0x0  }
0x276: {  	[sflag:s17] =	ssyncadd.s32 $0xFFFFF000  }
0x277: {  	s10 =	sadd.s32 $0x60, s9  }
0x278: {  	[tilespmem:s28], [sflag:$0x4] =	stream.indirect.gather [hbm4b:s0+s23], $0x80, s10, s23, $0xb8;
	[tilespmem:$0x1E680] =	vst v63  }
.Ltmp11:
0x279: {  	_ = 	snop;
	(pc) =	sbr.rel .LBB2_6-.Ltmp11, $4  }
0x27a: {  	_ = 	snop  }
0x27b: {  	[tilespmem:s29], [sflag:$0x5] =	stream.indirect.gather [hbm4b:s1+s23], $0x80, s10, s23, $0xb8;
	[tilespmem:$0x1E680] =	vst v63  }
0x27c: {  	s16 =	sadd.s32 $0x1460, s9;
	s18 =	sadd.s32 $0x1, s18  }
0x27d: {  	[tilespmem:s31], [sflag:$0x6] =	stream.indirect.gather [hbm4b:s2+s23], $0x80, s16, s23, $0xb8;
	[tilespmem:$0x1E680] =	vst v63  }
.LBB2_21:
0x27e: {  	_ =	sfence.sel $0x180000  }
0x27f: {  	[bflag:$0x0] =	sbarrier.arrive $0xFFFF  }
0x280: {  	_ =	strace $0x90000047  }
0x281: {  	s0 =	stileid.u32;
	[bflag:$0x2] =	sbarrier.arrive $0xFFFF  }
0x282: {  	p0 =	sne.s32 s0, $0x0;
	s0 =	rddreg [dreg:$0xa]  }
0x283: {  	s0 =	sadd.s32 @!p0 $0x100000, s0  }
0x284: {  	[sflag:s0] =	ssyncadd.tile.s32 @!p0 $0x1;
	_ =	shalt  }
.Lfunc_end2:
_tile_overlayer_lowered:
.L_overlay_start_2:
0x285: {  	(tag) =	ssettag $0x2  }
0x286: {  	s0 =	rddreg [dreg:$0x0];
	s2 =	stileid.u32  }
0x287: {  	s1 =	rddreg [dreg:$0x1];
	p0 =	sne.s32 s2, $0x0  }
0x288: {  	s3 =	rddreg [dreg:$0x2];
	[bflag:$0x3] =	sbarrier.arrive $0xFFFF;
	s2 =	simm.s32 @!p0 $0x1C07  }
0x289: {  	[timem:s3], [sflag:s2] =	dma.local @!p0 [hbm:s0], s1  }
0x28a: {  	s0 =	simm.s32 @!p0 $0x7  }
0x28b: {  	_ =	swait.ge @!p0 [sflag:s0], s1  }
0x28c: {  	s1 =	ssub.s32 @!p0 $0x0, s1;
	[sflag:s0] =	ssyncset.done @!p0 $0x0  }
0x28d: {  	[sflag:s0] =	ssyncadd.s32 @!p0 s1  }
0x28e: {  	[bflag:$0x3] =	sbarrier.arrive $0xFFFF  }
0x28f: {  	_ =	shalt  }

</sc_bundles>
